<compile_context>
chip_gen: v7x
topology: tpu7x:2x2x1
jax: 0.10.2.dev20260603
libtpu: 0.0.44.dev20260713+nightly
codegen_flags: <defaults>
</compile_context>

<pallas_src>
import functools

import jax
import jax.numpy as jnp
from jax import lax
from jax.experimental import pallas as pl
from jax.experimental.pallas import tpu as pltpu
from jax.experimental.pallas import tpu_sc as plsc

NC = 2
NS = 16
NW = NC * NS
C = 128
L = 16


def _sc_aggregate(feature, packed_w, n_chunks, n_pad, D):
    mesh = plsc.VectorSubcoreMesh(
        core_axis_name="c", subcore_axis_name="s", num_cores=NC, num_subcores=NS
    )
    rows_per = n_pad // NS
    zeros = jnp.zeros((rows_per, D), jnp.float32)

    @functools.partial(
        pl.kernel,
        mesh=mesh,
        out_type=jax.ShapeDtypeStruct((NC, n_pad, D), jnp.float32),
        scratch_types=[
            pltpu.VMEM((n_chunks, C), jnp.int32),
            pltpu.VMEM((C,), jnp.int32),
            pltpu.VMEM((C,), jnp.int32),
            pltpu.VMEM((C,), jnp.int32),
            pltpu.VMEM((C,), jnp.int32),
            pltpu.VMEM((C, D), jnp.float32),
            pltpu.VMEM((C, D), jnp.float32),
            pltpu.VMEM_SHARED((n_pad, D), jnp.float32),
            pltpu.SemaphoreType.DMA,
            pltpu.SemaphoreType.DMA,
            pltpu.SemaphoreType.DMA,
            pltpu.SemaphoreType.DMA,
        ],
    )
    def agg_kernel(packed_hbm, z_hbm, feat_hbm, out_hbm,
                   packed_v, s_a, d_a, s_b, d_b, rows_a, rows_b, agg_sh,
                   sem_g1, sem_g2, sem_s0, sem_s1):
        c = lax.axis_index("c")
        s = lax.axis_index("s")
        wid = s * NC + c
        row0 = s * rows_per
        pltpu.sync_copy(z_hbm, agg_sh.at[pl.ds(row0, rows_per)])
        pltpu.sync_copy(packed_hbm.at[wid], packed_v)
        plsc.subcore_barrier()

        def unpack(j, s_ref, d_ref):
            for g in range(C // L):
                v = packed_v[j, pl.ds(g * L, L)]
                s_ref[pl.ds(g * L, L)] = v & 0xFFFF
                d_ref[pl.ds(g * L, L)] = lax.shift_right_logical(v, 16)

        unpack(0, s_a, d_a)
        pltpu.sync_copy(feat_hbm.at[s_a], rows_a)

        @pl.loop(0, n_chunks, step=2)
        def _(j0):
            unpack(j0 + 1, s_b, d_b)
            g1 = pltpu.async_copy(feat_hbm.at[s_b], rows_b, sem_g1)
            sc0 = pltpu.async_copy(rows_a, agg_sh.at[d_a], sem_s0, add=True)
            g1.wait()
            sc1 = pltpu.async_copy(rows_b, agg_sh.at[d_b], sem_s1, add=True)
            sc0.wait()
            unpack(jnp.minimum(j0 + 2, n_chunks - 1), s_a, d_a)
            g2 = pltpu.async_copy(feat_hbm.at[s_a], rows_a, sem_g2)
            sc1.wait()
            g2.wait()

        plsc.subcore_barrier()
        pltpu.sync_copy(agg_sh.at[pl.ds(row0, rows_per)],
                        out_hbm.at[c, pl.ds(row0, rows_per)])

    return agg_kernel(packed_w, zeros, feature)


def _tc_dense(feature, parts, W1, b1, W2, b2, gamma, beta, N, D):

    def body(f_ref, p_ref, w1_ref, b1_ref, w2_ref, b2_ref, g_ref, bt_ref,
             o_ref):
        h = f_ref[...] + p_ref[0, :N, :] + p_ref[1, :N, :]
        h = lax.dot_general(h, w1_ref[...], (((1,), (1,)), ((), ())),
                            preferred_element_type=jnp.float32) + b1_ref[...]
        h = jnp.maximum(h, 0.0)
        h = lax.dot_general(h, w2_ref[...], (((1,), (1,)), ((), ())),
                            preferred_element_type=jnp.float32) + b2_ref[...]
        h = jnp.maximum(h, 0.0)
        mean = jnp.mean(h, axis=0, keepdims=True)
        cent = h - mean
        var = jnp.mean(cent * cent, axis=0, keepdims=True)
        o_ref[...] = (g_ref[...] * cent * lax.rsqrt(var + 1e-5) + bt_ref[...])

    return pl.pallas_call(
        body,
        out_shape=jax.ShapeDtypeStruct((N, D), jnp.float32),
    )(feature, parts, W1, b1.reshape(1, D), W2, b2.reshape(1, D),
      gamma.reshape(1, D), beta.reshape(1, D))


def kernel(feature, edge_index, W1, b1, W2, b2, gamma, beta):
    N, D = feature.shape
    E = edge_index.shape[1]
    per = E // NW
    n_chunks = -(-per // C)
    n_chunks += n_chunks % 2
    per_pad = n_chunks * C
    pad_cnt = per_pad - per
    n_pad = -(-(N + 1) // (NS * 8)) * (NS * 8)
    pad_rows = n_pad - N

    ei = edge_index.astype(jnp.int32)
    src = ei[0].reshape(NW, per)
    dst = ei[1].reshape(NW, per)
    pad_iota = jnp.arange(NW * pad_cnt, dtype=jnp.int32).reshape(NW, pad_cnt)
    pad_src = pad_iota % N
    pad_dst = N + pad_iota % pad_rows
    src_w = jnp.concatenate([src, pad_src], axis=1)
    dst_w = jnp.concatenate([dst, pad_dst], axis=1)
    packed_w = (src_w | (dst_w << 16)).reshape(NW, n_chunks, C)

    parts = _sc_aggregate(feature, packed_w, n_chunks, n_pad, D)
    return _tc_dense(feature, parts, W1, b1, W2, b2, gamma, beta, N, D)

# --- scband reference (transcript-rebuilt; emitter-appended) ---
"""Pipeline reference for scband-emily-gin-bond-87703232184759 (READ-ONLY COPY).

The authoritative reference and input builder live on the scoring server;
editing this copy changes nothing except your own understanding.
"""

import jax, jax.numpy as jnp
import numpy as np

N = 10000
E = 320000
D = 128

def setup_inputs(seed: int = 0) -> dict:
    key = jax.random.key(seed)
    k1, k2, k3, k4, k5, k6 = jax.random.split(key, 6)
    feature = jax.random.normal(k1, (N, D), dtype=jnp.float32)
    edge_index = jax.random.randint(k2, (2, E), 0, N, dtype=jnp.int64)
    # MLP params (Linear: out = x @ W.T + b), torch default init scale ~ 1/sqrt(fan_in)
    lim = 1.0 / np.sqrt(D)
    W1 = jax.random.uniform(k3, (D, D), minval=-lim, maxval=lim, dtype=jnp.float32)
    b1 = jax.random.uniform(k4, (D,), minval=-lim, maxval=lim, dtype=jnp.float32)
    W2 = jax.random.uniform(k5, (D, D), minval=-lim, maxval=lim, dtype=jnp.float32)
    b2 = jax.random.uniform(k6, (D,), minval=-lim, maxval=lim, dtype=jnp.float32)
    gamma = jnp.ones((D,), dtype=jnp.float32)
    beta = jnp.zeros((D,), dtype=jnp.float32)
    return {"feature": feature, "edge_index": edge_index, "W1": W1, "b1": b1, "W2": W2, "b2": b2, "gamma": gamma, "beta": beta}

def reference(feature, edge_index, W1, b1, W2, b2, gamma, beta):
    src = edge_index[0]
    dst = edge_index[1]
    # GINConv aggregation: sum of neighbor features (scatter-add into dst)
    agg = jnp.zeros_like(feature).at[dst].add(feature[src])
    # (1 + eps) * x + aggr, eps = 0 (default, non-trainable)
    h = feature + agg
    # nn_bond: Linear -> ReLU -> Linear
    h = h @ W1.T + b1
    h = jax.nn.relu(h)
    h = h @ W2.T + b2
    # F.relu after conv
    h = jax.nn.relu(h)
    # BatchNorm1d (training mode: batch statistics, biased variance)
    mean = jnp.mean(h, axis=0)
    var = jnp.var(h, axis=0)
    out = gamma * (h - mean) / jnp.sqrt(var + 1e-5) + beta
    return out

if __name__ == "__main__":
    import jax
    _d = setup_inputs()
    print(jax.jit(kernel)(*tuple(_d.values())))

</pallas_src>

<mosaic_0001>
#map = affine_map<(d0, d1) -> (0, 0, 0)>
#map1 = affine_map<(d0, d1) -> (0, 0)>
module attributes {stable_mosaic.version = 14 : i64} {
  func.func @agg_kernel(%arg0: i32, %arg1: i32, %arg2: memref<32x80x128xi32, #tpu.memory_space<hbm>>, %arg3: memref<632x128xf32, #tpu.memory_space<hbm>>, %arg4: memref<10000x128xf32, #tpu.memory_space<hbm>>, %arg5: memref<2x10112x128xf32, #tpu.memory_space<hbm>>, %arg6: memref<80x128xi32, #tpu.memory_space<vmem>>, %arg7: memref<128xi32, #tpu.memory_space<vmem>>, %arg8: memref<128xi32, #tpu.memory_space<vmem>>, %arg9: memref<128xi32, #tpu.memory_space<vmem>>, %arg10: memref<128xi32, #tpu.memory_space<vmem>>, %arg11: memref<128x128xf32, #tpu.memory_space<vmem>>, %arg12: memref<128x128xf32, #tpu.memory_space<vmem>>, %arg13: memref<10112x128xf32, #tpu.memory_space<vmem_shared>>, %arg14: memref<!tpu.dma_semaphore, #tpu.memory_space<semaphore_mem>>, %arg15: memref<!tpu.dma_semaphore, #tpu.memory_space<semaphore_mem>>, %arg16: memref<!tpu.dma_semaphore, #tpu.memory_space<semaphore_mem>>, %arg17: memref<!tpu.dma_semaphore, #tpu.memory_space<semaphore_mem>>) attributes {dimension_semantics = [#tpu.dimension_semantics<core_parallel>, #tpu.dimension_semantics<subcore_parallel>], iteration_bounds = array<i64: 2, 16>, scalar_prefetch = 0 : i64, scratch_operands = 12 : i64, tpu.core_type = #tpu.core_type<sc_vector_subcore>, window_params = [{transform_indices = #map}, {transform_indices = #map1}, {transform_indices = #map1}, {transform_indices = #map}]} {
    %mul3A = arith.constant 2 : i32
    %mul3A_0 = arith.muli %arg1, %mul3A : i32
    %add3A = arith.addi %mul3A_0, %arg0 : i32
    %mul3A_1 = arith.constant 632 : i32
    %mul3A_2 = arith.muli %arg1, %mul3A_1 : i32
    "tpu.region"() ({
      %run_scoped3A = tpu.sem_alloc : memref<!tpu.dma_semaphore, #tpu.memory_space<semaphore_mem>>
      %dma_start3A = arith.constant 0 : i32
      %dma_start3A_156 = tpu.memref_slice %arg13[%mul3A_2, %dma_start3A] : memref<10112x128xf32, #tpu.memory_space<vmem_shared>> -> memref<632x128xf32, #tpu.memory_space<vmem_shared>>
      tpu.enqueue_dma source(%arg3 : memref<632x128xf32, #tpu.memory_space<hbm>>) target(%dma_start3A_156 : memref<632x128xf32, #tpu.memory_space<vmem_shared>>) target_semaphore(%run_scoped3A : memref<!tpu.dma_semaphore, #tpu.memory_space<semaphore_mem>>)
      %dma_wait3A = arith.constant 0 : i32
      %dma_wait3A_157 = tpu.memref_slice %arg13[%mul3A_2, %dma_wait3A] : memref<10112x128xf32, #tpu.memory_space<vmem_shared>> -> memref<632x128xf32, #tpu.memory_space<vmem_shared>>
      tpu.wait_dma2 semaphore(%run_scoped3A : memref<!tpu.dma_semaphore, #tpu.memory_space<semaphore_mem>>) src(%arg3 : memref<632x128xf32, #tpu.memory_space<hbm>>) dst(%dma_wait3A_157 : memref<632x128xf32, #tpu.memory_space<vmem_shared>>)
      tpu.yield
    }) : () -> ()
    "tpu.region"() ({
      %run_scoped3A = tpu.sem_alloc : memref<!tpu.dma_semaphore, #tpu.memory_space<semaphore_mem>>
      %dma_start3A = arith.constant 0 : i32
      %dma_start3A_156 = arith.constant 0 : i32
      %dma_start3A_157 = tpu.memref_slice %arg2[%add3A, %dma_start3A, %dma_start3A_156] : memref<32x80x128xi32, #tpu.memory_space<hbm>> -> memref<1x80x128xi32, #tpu.memory_space<hbm>>
      %dma_start3A_158 = tpu.memref_squeeze %dma_start3A_157 : memref<1x80x128xi32, #tpu.memory_space<hbm>> -> memref<80x128xi32, #tpu.memory_space<hbm>>
      %dma_start3A_159 = arith.constant 0 : i32
      %dma_start3A_160 = arith.constant 0 : i32
      %dma_start3A_161 = tpu.memref_slice %arg2[%add3A, %dma_start3A_159, %dma_start3A_160] : memref<32x80x128xi32, #tpu.memory_space<hbm>> -> memref<1x80x128xi32, #tpu.memory_space<hbm>>
      %dma_start3A_162 = tpu.memref_squeeze %dma_start3A_161 : memref<1x80x128xi32, #tpu.memory_space<hbm>> -> memref<80x128xi32, #tpu.memory_space<hbm>>
      tpu.enqueue_dma source(%dma_start3A_162 : memref<80x128xi32, #tpu.memory_space<hbm>>) target(%arg6 : memref<80x128xi32, #tpu.memory_space<vmem>>) target_semaphore(%run_scoped3A : memref<!tpu.dma_semaphore, #tpu.memory_space<semaphore_mem>>)
      %dma_wait3A = arith.constant 0 : i32
      %dma_wait3A_163 = arith.constant 0 : i32
      %dma_wait3A_164 = tpu.memref_slice %arg2[%add3A, %dma_wait3A, %dma_wait3A_163] : memref<32x80x128xi32, #tpu.memory_space<hbm>> -> memref<1x80x128xi32, #tpu.memory_space<hbm>>
      %dma_wait3A_165 = tpu.memref_squeeze %dma_wait3A_164 : memref<1x80x128xi32, #tpu.memory_space<hbm>> -> memref<80x128xi32, #tpu.memory_space<hbm>>
      %dma_wait3A_166 = arith.constant 0 : i32
      %dma_wait3A_167 = arith.constant 0 : i32
      %dma_wait3A_168 = tpu.memref_slice %arg2[%add3A, %dma_wait3A_166, %dma_wait3A_167] : memref<32x80x128xi32, #tpu.memory_space<hbm>> -> memref<1x80x128xi32, #tpu.memory_space<hbm>>
      %dma_wait3A_169 = tpu.memref_squeeze %dma_wait3A_168 : memref<1x80x128xi32, #tpu.memory_space<hbm>> -> memref<80x128xi32, #tpu.memory_space<hbm>>
      tpu.wait_dma2 semaphore(%run_scoped3A : memref<!tpu.dma_semaphore, #tpu.memory_space<semaphore_mem>>) src(%dma_wait3A_169 : memref<80x128xi32, #tpu.memory_space<hbm>>) dst(%arg6 : memref<80x128xi32, #tpu.memory_space<vmem>>)
      tpu.yield
    }) : () -> ()
    %barrier3A = arith.constant 0 : index
    tpu.barrier barrier_id(%barrier3A)
    %get3A = arith.constant 0 : i32
    %get3A_3 = arith.index_cast %get3A : i32 to index
    %get3A_4 = arith.constant 0 : index
    %get3A_5 = tpu.vector_load %arg6[%get3A_3, %get3A_4] {strides = array<i32>} : memref<80x128xi32, #tpu.memory_space<vmem>>, vector<1x16xi32>,
    %get3A_6 = vector.shape_cast %get3A_5 : vector<1x16xi32> to vector<16xi32>
    %and3A = arith.constant 65535 : i32
    %and3A_7 = vector.broadcast %and3A : i32 to vector<16xi32>
    %and3A_8 = arith.andi %get3A_6, %and3A_7 : vector<16xi32>
    %swap3A = arith.constant 0 : index
    %swap3A_9 = tpu.vector_load %arg7[%swap3A] {strides = array<i32>} : memref<128xi32, #tpu.memory_space<vmem>>, vector<16xi32>,
    %swap3A_10 = vector.shape_cast %swap3A_9 : vector<16xi32> to vector<16xi32>
    %swap3A_11 = vector.shape_cast %and3A_8 : vector<16xi32> to vector<16xi32>
    tpu.vector_store %arg7[%swap3A], %swap3A_11 {strides = array<i32>} : memref<128xi32, #tpu.memory_space<vmem>>, vector<16xi32>,
    %shift_right_logical3A = arith.constant 16 : i32
    %shift_right_logical3A_12 = vector.broadcast %shift_right_logical3A : i32 to vector<16xi32>
    %shift_right_logical3A_13 = arith.shrui %get3A_6, %shift_right_logical3A_12 : vector<16xi32>
    %swap3A_14 = arith.constant 0 : index
    %swap3A_15 = tpu.vector_load %arg8[%swap3A_14] {strides = array<i32>} : memref<128xi32, #tpu.memory_space<vmem>>, vector<16xi32>,
    %swap3A_16 = vector.shape_cast %swap3A_15 : vector<16xi32> to vector<16xi32>
    %swap3A_17 = vector.shape_cast %shift_right_logical3A_13 : vector<16xi32> to vector<16xi32>
    tpu.vector_store %arg8[%swap3A_14], %swap3A_17 {strides = array<i32>} : memref<128xi32, #tpu.memory_space<vmem>>, vector<16xi32>,
    %get3A_18 = arith.constant 0 : i32
    %get3A_19 = arith.index_cast %get3A_18 : i32 to index
    %get3A_20 = arith.constant 16 : index
    %get3A_21 = tpu.vector_load %arg6[%get3A_19, %get3A_20] {strides = array<i32>} : memref<80x128xi32, #tpu.memory_space<vmem>>, vector<1x16xi32>,
    %get3A_22 = vector.shape_cast %get3A_21 : vector<1x16xi32> to vector<16xi32>
    %and3A_23 = arith.constant 65535 : i32
    %and3A_24 = vector.broadcast %and3A_23 : i32 to vector<16xi32>
    %and3A_25 = arith.andi %get3A_22, %and3A_24 : vector<16xi32>
    %swap3A_26 = arith.constant 16 : index
    %swap3A_27 = tpu.vector_load %arg7[%swap3A_26] {strides = array<i32>} : memref<128xi32, #tpu.memory_space<vmem>>, vector<16xi32>,
    %swap3A_28 = vector.shape_cast %swap3A_27 : vector<16xi32> to vector<16xi32>
    %swap3A_29 = vector.shape_cast %and3A_25 : vector<16xi32> to vector<16xi32>
    tpu.vector_store %arg7[%swap3A_26], %swap3A_29 {strides = array<i32>} : memref<128xi32, #tpu.memory_space<vmem>>, vector<16xi32>,
    %shift_right_logical3A_30 = arith.constant 16 : i32
    %shift_right_logical3A_31 = vector.broadcast %shift_right_logical3A_30 : i32 to vector<16xi32>
    %shift_right_logical3A_32 = arith.shrui %get3A_22, %shift_right_logical3A_31 : vector<16xi32>
    %swap3A_33 = arith.constant 16 : index
    %swap3A_34 = tpu.vector_load %arg8[%swap3A_33] {strides = array<i32>} : memref<128xi32, #tpu.memory_space<vmem>>, vector<16xi32>,
    %swap3A_35 = vector.shape_cast %swap3A_34 : vector<16xi32> to vector<16xi32>
    %swap3A_36 = vector.shape_cast %shift_right_logical3A_32 : vector<16xi32> to vector<16xi32>
    tpu.vector_store %arg8[%swap3A_33], %swap3A_36 {strides = array<i32>} : memref<128xi32, #tpu.memory_space<vmem>>, vector<16xi32>,
    %get3A_37 = arith.constant 0 : i32
    %get3A_38 = arith.index_cast %get3A_37 : i32 to index
    %get3A_39 = arith.constant 32 : index
    %get3A_40 = tpu.vector_load %arg6[%get3A_38, %get3A_39] {strides = array<i32>} : memref<80x128xi32, #tpu.memory_space<vmem>>, vector<1x16xi32>,
    %get3A_41 = vector.shape_cast %get3A_40 : vector<1x16xi32> to vector<16xi32>
    %and3A_42 = arith.constant 65535 : i32
    %and3A_43 = vector.broadcast %and3A_42 : i32 to vector<16xi32>
    %and3A_44 = arith.andi %get3A_41, %and3A_43 : vector<16xi32>
    %swap3A_45 = arith.constant 32 : index
    %swap3A_46 = tpu.vector_load %arg7[%swap3A_45] {strides = array<i32>} : memref<128xi32, #tpu.memory_space<vmem>>, vector<16xi32>,
    %swap3A_47 = vector.shape_cast %swap3A_46 : vector<16xi32> to vector<16xi32>
    %swap3A_48 = vector.shape_cast %and3A_44 : vector<16xi32> to vector<16xi32>
    tpu.vector_store %arg7[%swap3A_45], %swap3A_48 {strides = array<i32>} : memref<128xi32, #tpu.memory_space<vmem>>, vector<16xi32>,
    %shift_right_logical3A_49 = arith.constant 16 : i32
    %shift_right_logical3A_50 = vector.broadcast %shift_right_logical3A_49 : i32 to vector<16xi32>
    %shift_right_logical3A_51 = arith.shrui %get3A_41, %shift_right_logical3A_50 : vector<16xi32>
    %swap3A_52 = arith.constant 32 : index
    %swap3A_53 = tpu.vector_load %arg8[%swap3A_52] {strides = array<i32>} : memref<128xi32, #tpu.memory_space<vmem>>, vector<16xi32>,
    %swap3A_54 = vector.shape_cast %swap3A_53 : vector<16xi32> to vector<16xi32>
    %swap3A_55 = vector.shape_cast %shift_right_logical3A_51 : vector<16xi32> to vector<16xi32>
    tpu.vector_store %arg8[%swap3A_52], %swap3A_55 {strides = array<i32>} : memref<128xi32, #tpu.memory_space<vmem>>, vector<16xi32>,
    %get3A_56 = arith.constant 0 : i32
    %get3A_57 = arith.index_cast %get3A_56 : i32 to index
    %get3A_58 = arith.constant 48 : index
    %get3A_59 = tpu.vector_load %arg6[%get3A_57, %get3A_58] {strides = array<i32>} : memref<80x128xi32, #tpu.memory_space<vmem>>, vector<1x16xi32>,
    %get3A_60 = vector.shape_cast %get3A_59 : vector<1x16xi32> to vector<16xi32>
    %and3A_61 = arith.constant 65535 : i32
    %and3A_62 = vector.broadcast %and3A_61 : i32 to vector<16xi32>
    %and3A_63 = arith.andi %get3A_60, %and3A_62 : vector<16xi32>
    %swap3A_64 = arith.constant 48 : index
    %swap3A_65 = tpu.vector_load %arg7[%swap3A_64] {strides = array<i32>} : memref<128xi32, #tpu.memory_space<vmem>>, vector<16xi32>,
    %swap3A_66 = vector.shape_cast %swap3A_65 : vector<16xi32> to vector<16xi32>
    %swap3A_67 = vector.shape_cast %and3A_63 : vector<16xi32> to vector<16xi32>
    tpu.vector_store %arg7[%swap3A_64], %swap3A_67 {strides = array<i32>} : memref<128xi32, #tpu.memory_space<vmem>>, vector<16xi32>,
    %shift_right_logical3A_68 = arith.constant 16 : i32
    %shift_right_logical3A_69 = vector.broadcast %shift_right_logical3A_68 : i32 to vector<16xi32>
    %shift_right_logical3A_70 = arith.shrui %get3A_60, %shift_right_logical3A_69 : vector<16xi32>
    %swap3A_71 = arith.constant 48 : index
    %swap3A_72 = tpu.vector_load %arg8[%swap3A_71] {strides = array<i32>} : memref<128xi32, #tpu.memory_space<vmem>>, vector<16xi32>,
    %swap3A_73 = vector.shape_cast %swap3A_72 : vector<16xi32> to vector<16xi32>
    %swap3A_74 = vector.shape_cast %shift_right_logical3A_70 : vector<16xi32> to vector<16xi32>
    tpu.vector_store %arg8[%swap3A_71], %swap3A_74 {strides = array<i32>} : memref<128xi32, #tpu.memory_space<vmem>>, vector<16xi32>,
    %get3A_75 = arith.constant 0 : i32
    %get3A_76 = arith.index_cast %get3A_75 : i32 to index
    %get3A_77 = arith.constant 64 : index
    %get3A_78 = tpu.vector_load %arg6[%get3A_76, %get3A_77] {strides = array<i32>} : memref<80x128xi32, #tpu.memory_space<vmem>>, vector<1x16xi32>,
    %get3A_79 = vector.shape_cast %get3A_78 : vector<1x16xi32> to vector<16xi32>
    %and3A_80 = arith.constant 65535 : i32
    %and3A_81 = vector.broadcast %and3A_80 : i32 to vector<16xi32>
    %and3A_82 = arith.andi %get3A_79, %and3A_81 : vector<16xi32>
    %swap3A_83 = arith.constant 64 : index
    %swap3A_84 = tpu.vector_load %arg7[%swap3A_83] {strides = array<i32>} : memref<128xi32, #tpu.memory_space<vmem>>, vector<16xi32>,
    %swap3A_85 = vector.shape_cast %swap3A_84 : vector<16xi32> to vector<16xi32>
    %swap3A_86 = vector.shape_cast %and3A_82 : vector<16xi32> to vector<16xi32>
    tpu.vector_store %arg7[%swap3A_83], %swap3A_86 {strides = array<i32>} : memref<128xi32, #tpu.memory_space<vmem>>, vector<16xi32>,
    %shift_right_logical3A_87 = arith.constant 16 : i32
    %shift_right_logical3A_88 = vector.broadcast %shift_right_logical3A_87 : i32 to vector<16xi32>
    %shift_right_logical3A_89 = arith.shrui %get3A_79, %shift_right_logical3A_88 : vector<16xi32>
    %swap3A_90 = arith.constant 64 : index
    %swap3A_91 = tpu.vector_load %arg8[%swap3A_90] {strides = array<i32>} : memref<128xi32, #tpu.memory_space<vmem>>, vector<16xi32>,
    %swap3A_92 = vector.shape_cast %swap3A_91 : vector<16xi32> to vector<16xi32>
    %swap3A_93 = vector.shape_cast %shift_right_logical3A_89 : vector<16xi32> to vector<16xi32>
    tpu.vector_store %arg8[%swap3A_90], %swap3A_93 {strides = array<i32>} : memref<128xi32, #tpu.memory_space<vmem>>, vector<16xi32>,
    %get3A_94 = arith.constant 0 : i32
    %get3A_95 = arith.index_cast %get3A_94 : i32 to index
    %get3A_96 = arith.constant 80 : index
    %get3A_97 = tpu.vector_load %arg6[%get3A_95, %get3A_96] {strides = array<i32>} : memref<80x128xi32, #tpu.memory_space<vmem>>, vector<1x16xi32>,
    %get3A_98 = vector.shape_cast %get3A_97 : vector<1x16xi32> to vector<16xi32>
    %and3A_99 = arith.constant 65535 : i32
    %and3A_100 = vector.broadcast %and3A_99 : i32 to vector<16xi32>
    %and3A_101 = arith.andi %get3A_98, %and3A_100 : vector<16xi32>
    %swap3A_102 = arith.constant 80 : index
    %swap3A_103 = tpu.vector_load %arg7[%swap3A_102] {strides = array<i32>} : memref<128xi32, #tpu.memory_space<vmem>>, vector<16xi32>,
    %swap3A_104 = vector.shape_cast %swap3A_103 : vector<16xi32> to vector<16xi32>
    %swap3A_105 = vector.shape_cast %and3A_101 : vector<16xi32> to vector<16xi32>
    tpu.vector_store %arg7[%swap3A_102], %swap3A_105 {strides = array<i32>} : memref<128xi32, #tpu.memory_space<vmem>>, vector<16xi32>,
    %shift_right_logical3A_106 = arith.constant 16 : i32
    %shift_right_logical3A_107 = vector.broadcast %shift_right_logical3A_106 : i32 to vector<16xi32>
    %shift_right_logical3A_108 = arith.shrui %get3A_98, %shift_right_logical3A_107 : vector<16xi32>
    %swap3A_109 = arith.constant 80 : index
    %swap3A_110 = tpu.vector_load %arg8[%swap3A_109] {strides = array<i32>} : memref<128xi32, #tpu.memory_space<vmem>>, vector<16xi32>,
    %swap3A_111 = vector.shape_cast %swap3A_110 : vector<16xi32> to vector<16xi32>
    %swap3A_112 = vector.shape_cast %shift_right_logical3A_108 : vector<16xi32> to vector<16xi32>
    tpu.vector_store %arg8[%swap3A_109], %swap3A_112 {strides = array<i32>} : memref<128xi32, #tpu.memory_space<vmem>>, vector<16xi32>,
    %get3A_113 = arith.constant 0 : i32
    %get3A_114 = arith.index_cast %get3A_113 : i32 to index
    %get3A_115 = arith.constant 96 : index
    %get3A_116 = tpu.vector_load %arg6[%get3A_114, %get3A_115] {strides = array<i32>} : memref<80x128xi32, #tpu.memory_space<vmem>>, vector<1x16xi32>,
    %get3A_117 = vector.shape_cast %get3A_116 : vector<1x16xi32> to vector<16xi32>
    %and3A_118 = arith.constant 65535 : i32
    %and3A_119 = vector.broadcast %and3A_118 : i32 to vector<16xi32>
    %and3A_120 = arith.andi %get3A_117, %and3A_119 : vector<16xi32>
    %swap3A_121 = arith.constant 96 : index
    %swap3A_122 = tpu.vector_load %arg7[%swap3A_121] {strides = array<i32>} : memref<128xi32, #tpu.memory_space<vmem>>, vector<16xi32>,
    %swap3A_123 = vector.shape_cast %swap3A_122 : vector<16xi32> to vector<16xi32>
    %swap3A_124 = vector.shape_cast %and3A_120 : vector<16xi32> to vector<16xi32>
    tpu.vector_store %arg7[%swap3A_121], %swap3A_124 {strides = array<i32>} : memref<128xi32, #tpu.memory_space<vmem>>, vector<16xi32>,
    %shift_right_logical3A_125 = arith.constant 16 : i32
    %shift_right_logical3A_126 = vector.broadcast %shift_right_logical3A_125 : i32 to vector<16xi32>
    %shift_right_logical3A_127 = arith.shrui %get3A_117, %shift_right_logical3A_126 : vector<16xi32>
    %swap3A_128 = arith.constant 96 : index
    %swap3A_129 = tpu.vector_load %arg8[%swap3A_128] {strides = array<i32>} : memref<128xi32, #tpu.memory_space<vmem>>, vector<16xi32>,
    %swap3A_130 = vector.shape_cast %swap3A_129 : vector<16xi32> to vector<16xi32>
    %swap3A_131 = vector.shape_cast %shift_right_logical3A_127 : vector<16xi32> to vector<16xi32>
    tpu.vector_store %arg8[%swap3A_128], %swap3A_131 {strides = array<i32>} : memref<128xi32, #tpu.memory_space<vmem>>, vector<16xi32>,
    %get3A_132 = arith.constant 0 : i32
    %get3A_133 = arith.index_cast %get3A_132 : i32 to index
    %get3A_134 = arith.constant 112 : index
    %get3A_135 = tpu.vector_load %arg6[%get3A_133, %get3A_134] {strides = array<i32>} : memref<80x128xi32, #tpu.memory_space<vmem>>, vector<1x16xi32>,
    %get3A_136 = vector.shape_cast %get3A_135 : vector<1x16xi32> to vector<16xi32>
    %and3A_137 = arith.constant 65535 : i32
    %and3A_138 = vector.broadcast %and3A_137 : i32 to vector<16xi32>
    %and3A_139 = arith.andi %get3A_136, %and3A_138 : vector<16xi32>
    %swap3A_140 = arith.constant 112 : index
    %swap3A_141 = tpu.vector_load %arg7[%swap3A_140] {strides = array<i32>} : memref<128xi32, #tpu.memory_space<vmem>>, vector<16xi32>,
    %swap3A_142 = vector.shape_cast %swap3A_141 : vector<16xi32> to vector<16xi32>
    %swap3A_143 = vector.shape_cast %and3A_139 : vector<16xi32> to vector<16xi32>
    tpu.vector_store %arg7[%swap3A_140], %swap3A_143 {strides = array<i32>} : memref<128xi32, #tpu.memory_space<vmem>>, vector<16xi32>,
    %shift_right_logical3A_144 = arith.constant 16 : i32
    %shift_right_logical3A_145 = vector.broadcast %shift_right_logical3A_144 : i32 to vector<16xi32>
    %shift_right_logical3A_146 = arith.shrui %get3A_136, %shift_right_logical3A_145 : vector<16xi32>
    %swap3A_147 = arith.constant 112 : index
    %swap3A_148 = tpu.vector_load %arg8[%swap3A_147] {strides = array<i32>} : memref<128xi32, #tpu.memory_space<vmem>>, vector<16xi32>,
    %swap3A_149 = vector.shape_cast %swap3A_148 : vector<16xi32> to vector<16xi32>
    %swap3A_150 = vector.shape_cast %shift_right_logical3A_146 : vector<16xi32> to vector<16xi32>
    tpu.vector_store %arg8[%swap3A_147], %swap3A_150 {strides = array<i32>} : memref<128xi32, #tpu.memory_space<vmem>>, vector<16xi32>,
    "tpu.region"() ({
      %run_scoped3A = tpu.sem_alloc : memref<!tpu.dma_semaphore, #tpu.memory_space<semaphore_mem>>
      %dma_start3A = arith.constant 0 : i32
      %dma_start3A_156 = arith.constant 0 : i32
      %dma_start3A_157 = tpu.memref_slice %arg4[%dma_start3A, %dma_start3A_156] : memref<10000x128xf32, #tpu.memory_space<hbm>> -> memref<10000x128xf32, #tpu.memory_space<hbm>>
      tpu.enqueue_indirect_dma source(%dma_start3A_157 : memref<10000x128xf32, #tpu.memory_space<hbm>>) target(%arg11 : memref<128x128xf32, #tpu.memory_space<vmem>>) offsets(%arg7 : memref<128xi32, #tpu.memory_space<vmem>>) semaphore(%run_scoped3A : memref<!tpu.dma_semaphore, #tpu.memory_space<semaphore_mem>>)
      %dma_wait3A = arith.constant 0 : i32
      %dma_wait3A_158 = arith.constant 0 : i32
      %dma_wait3A_159 = tpu.memref_slice %arg4[%dma_wait3A, %dma_wait3A_158] : memref<10000x128xf32, #tpu.memory_space<hbm>> -> memref<10000x128xf32, #tpu.memory_space<hbm>>
      tpu.wait_indirect_dma semaphore(%run_scoped3A : memref<!tpu.dma_semaphore, #tpu.memory_space<semaphore_mem>>) src(%dma_wait3A_159 : memref<10000x128xf32, #tpu.memory_space<hbm>>) dst(%arg11 : memref<128x128xf32, #tpu.memory_space<vmem>>)
      tpu.yield
    }) : () -> ()
    %scan3A = arith.constant 0 : i32
    %scan3A_151 = arith.constant 40 : i32
    %scan3A_152 = arith.addi %scan3A, %scan3A_151 : i32
    %scan3A_153 = arith.constant 1 : i32
    scf.for %scan3A_156 = %scan3A to %scan3A_152 step %scan3A_153  : i32 {
      %mul3A_157 = arith.constant 2 : i32
      %mul3A_158 = arith.muli %scan3A_156, %mul3A_157 : i32
      %add3A_159 = arith.constant 0 : i32
      %add3A_160 = arith.addi %add3A_159, %mul3A_158 : i32
      %add3A_161 = arith.constant 1 : i32
      %add3A_162 = arith.addi %add3A_160, %add3A_161 : i32
      %get3A_163 = arith.index_cast %add3A_162 : i32 to index
      %get3A_164 = arith.constant 0 : index
      %get3A_165 = tpu.vector_load %arg6[%get3A_163, %get3A_164] {strides = array<i32>} : memref<80x128xi32, #tpu.memory_space<vmem>>, vector<1x16xi32>,
      %get3A_166 = vector.shape_cast %get3A_165 : vector<1x16xi32> to vector<16xi32>
      %and3A_167 = arith.constant 65535 : i32
      %and3A_168 = vector.broadcast %and3A_167 : i32 to vector<16xi32>
      %and3A_169 = arith.andi %get3A_166, %and3A_168 : vector<16xi32>
      %swap3A_170 = arith.constant 0 : index
      %swap3A_171 = tpu.vector_load %arg9[%swap3A_170] {strides = array<i32>} : memref<128xi32, #tpu.memory_space<vmem>>, vector<16xi32>,
      %swap3A_172 = vector.shape_cast %swap3A_171 : vector<16xi32> to vector<16xi32>
      %swap3A_173 = vector.shape_cast %and3A_169 : vector<16xi32> to vector<16xi32>
      tpu.vector_store %arg9[%swap3A_170], %swap3A_173 {strides = array<i32>} : memref<128xi32, #tpu.memory_space<vmem>>, vector<16xi32>,
      %shift_right_logical3A_174 = arith.constant 16 : i32
      %shift_right_logical3A_175 = vector.broadcast %shift_right_logical3A_174 : i32 to vector<16xi32>
      %shift_right_logical3A_176 = arith.shrui %get3A_166, %shift_right_logical3A_175 : vector<16xi32>
      %swap3A_177 = arith.constant 0 : index
      %swap3A_178 = tpu.vector_load %arg10[%swap3A_177] {strides = array<i32>} : memref<128xi32, #tpu.memory_space<vmem>>, vector<16xi32>,
      %swap3A_179 = vector.shape_cast %swap3A_178 : vector<16xi32> to vector<16xi32>
      %swap3A_180 = vector.shape_cast %shift_right_logical3A_176 : vector<16xi32> to vector<16xi32>
      tpu.vector_store %arg10[%swap3A_177], %swap3A_180 {strides = array<i32>} : memref<128xi32, #tpu.memory_space<vmem>>, vector<16xi32>,
      %get3A_181 = arith.index_cast %add3A_162 : i32 to index
      %get3A_182 = arith.constant 16 : index
      %get3A_183 = tpu.vector_load %arg6[%get3A_181, %get3A_182] {strides = array<i32>} : memref<80x128xi32, #tpu.memory_space<vmem>>, vector<1x16xi32>,
      %get3A_184 = vector.shape_cast %get3A_183 : vector<1x16xi32> to vector<16xi32>
      %and3A_185 = arith.constant 65535 : i32
      %and3A_186 = vector.broadcast %and3A_185 : i32 to vector<16xi32>
      %and3A_187 = arith.andi %get3A_184, %and3A_186 : vector<16xi32>
      %swap3A_188 = arith.constant 16 : index
      %swap3A_189 = tpu.vector_load %arg9[%swap3A_188] {strides = array<i32>} : memref<128xi32, #tpu.memory_space<vmem>>, vector<16xi32>,
      %swap3A_190 = vector.shape_cast %swap3A_189 : vector<16xi32> to vector<16xi32>
      %swap3A_191 = vector.shape_cast %and3A_187 : vector<16xi32> to vector<16xi32>
      tpu.vector_store %arg9[%swap3A_188], %swap3A_191 {strides = array<i32>} : memref<128xi32, #tpu.memory_space<vmem>>, vector<16xi32>,
      %shift_right_logical3A_192 = arith.constant 16 : i32
      %shift_right_logical3A_193 = vector.broadcast %shift_right_logical3A_192 : i32 to vector<16xi32>
      %shift_right_logical3A_194 = arith.shrui %get3A_184, %shift_right_logical3A_193 : vector<16xi32>
      %swap3A_195 = arith.constant 16 : index
      %swap3A_196 = tpu.vector_load %arg10[%swap3A_195] {strides = array<i32>} : memref<128xi32, #tpu.memory_space<vmem>>, vector<16xi32>,
      %swap3A_197 = vector.shape_cast %swap3A_196 : vector<16xi32> to vector<16xi32>
      %swap3A_198 = vector.shape_cast %shift_right_logical3A_194 : vector<16xi32> to vector<16xi32>
      tpu.vector_store %arg10[%swap3A_195], %swap3A_198 {strides = array<i32>} : memref<128xi32, #tpu.memory_space<vmem>>, vector<16xi32>,
      %get3A_199 = arith.index_cast %add3A_162 : i32 to index
      %get3A_200 = arith.constant 32 : index
      %get3A_201 = tpu.vector_load %arg6[%get3A_199, %get3A_200] {strides = array<i32>} : memref<80x128xi32, #tpu.memory_space<vmem>>, vector<1x16xi32>,
      %get3A_202 = vector.shape_cast %get3A_201 : vector<1x16xi32> to vector<16xi32>
      %and3A_203 = arith.constant 65535 : i32
      %and3A_204 = vector.broadcast %and3A_203 : i32 to vector<16xi32>
      %and3A_205 = arith.andi %get3A_202, %and3A_204 : vector<16xi32>
      %swap3A_206 = arith.constant 32 : index
      %swap3A_207 = tpu.vector_load %arg9[%swap3A_206] {strides = array<i32>} : memref<128xi32, #tpu.memory_space<vmem>>, vector<16xi32>,
      %swap3A_208 = vector.shape_cast %swap3A_207 : vector<16xi32> to vector<16xi32>
      %swap3A_209 = vector.shape_cast %and3A_205 : vector<16xi32> to vector<16xi32>
      tpu.vector_store %arg9[%swap3A_206], %swap3A_209 {strides = array<i32>} : memref<128xi32, #tpu.memory_space<vmem>>, vector<16xi32>,
      %shift_right_logical3A_210 = arith.constant 16 : i32
      %shift_right_logical3A_211 = vector.broadcast %shift_right_logical3A_210 : i32 to vector<16xi32>
      %shift_right_logical3A_212 = arith.shrui %get3A_202, %shift_right_logical3A_211 : vector<16xi32>
      %swap3A_213 = arith.constant 32 : index
      %swap3A_214 = tpu.vector_load %arg10[%swap3A_213] {strides = array<i32>} : memref<128xi32, #tpu.memory_space<vmem>>, vector<16xi32>,
      %swap3A_215 = vector.shape_cast %swap3A_214 : vector<16xi32> to vector<16xi32>
      %swap3A_216 = vector.shape_cast %shift_right_logical3A_212 : vector<16xi32> to vector<16xi32>
      tpu.vector_store %arg10[%swap3A_213], %swap3A_216 {strides = array<i32>} : memref<128xi32, #tpu.memory_space<vmem>>, vector<16xi32>,
      %get3A_217 = arith.index_cast %add3A_162 : i32 to index
      %get3A_218 = arith.constant 48 : index
      %get3A_219 = tpu.vector_load %arg6[%get3A_217, %get3A_218] {strides = array<i32>} : memref<80x128xi32, #tpu.memory_space<vmem>>, vector<1x16xi32>,
      %get3A_220 = vector.shape_cast %get3A_219 : vector<1x16xi32> to vector<16xi32>
      %and3A_221 = arith.constant 65535 : i32
      %and3A_222 = vector.broadcast %and3A_221 : i32 to vector<16xi32>
      %and3A_223 = arith.andi %get3A_220, %and3A_222 : vector<16xi32>
      %swap3A_224 = arith.constant 48 : index
      %swap3A_225 = tpu.vector_load %arg9[%swap3A_224] {strides = array<i32>} : memref<128xi32, #tpu.memory_space<vmem>>, vector<16xi32>,
      %swap3A_226 = vector.shape_cast %swap3A_225 : vector<16xi32> to vector<16xi32>
      %swap3A_227 = vector.shape_cast %and3A_223 : vector<16xi32> to vector<16xi32>
      tpu.vector_store %arg9[%swap3A_224], %swap3A_227 {strides = array<i32>} : memref<128xi32, #tpu.memory_space<vmem>>, vector<16xi32>,
      %shift_right_logical3A_228 = arith.constant 16 : i32
      %shift_right_logical3A_229 = vector.broadcast %shift_right_logical3A_228 : i32 to vector<16xi32>
      %shift_right_logical3A_230 = arith.shrui %get3A_220, %shift_right_logical3A_229 : vector<16xi32>
      %swap3A_231 = arith.constant 48 : index
      %swap3A_232 = tpu.vector_load %arg10[%swap3A_231] {strides = array<i32>} : memref<128xi32, #tpu.memory_space<vmem>>, vector<16xi32>,
      %swap3A_233 = vector.shape_cast %swap3A_232 : vector<16xi32> to vector<16xi32>
      %swap3A_234 = vector.shape_cast %shift_right_logical3A_230 : vector<16xi32> to vector<16xi32>
      tpu.vector_store %arg10[%swap3A_231], %swap3A_234 {strides = array<i32>} : memref<128xi32, #tpu.memory_space<vmem>>, vector<16xi32>,
      %get3A_235 = arith.index_cast %add3A_162 : i32 to index
      %get3A_236 = arith.constant 64 : index
      %get3A_237 = tpu.vector_load %arg6[%get3A_235, %get3A_236] {strides = array<i32>} : memref<80x128xi32, #tpu.memory_space<vmem>>, vector<1x16xi32>,
      %get3A_238 = vector.shape_cast %get3A_237 : vector<1x16xi32> to vector<16xi32>
      %and3A_239 = arith.constant 65535 : i32
      %and3A_240 = vector.broadcast %and3A_239 : i32 to vector<16xi32>
      %and3A_241 = arith.andi %get3A_238, %and3A_240 : vector<16xi32>
      %swap3A_242 = arith.constant 64 : index
      %swap3A_243 = tpu.vector_load %arg9[%swap3A_242] {strides = array<i32>} : memref<128xi32, #tpu.memory_space<vmem>>, vector<16xi32>,
      %swap3A_244 = vector.shape_cast %swap3A_243 : vector<16xi32> to vector<16xi32>
      %swap3A_245 = vector.shape_cast %and3A_241 : vector<16xi32> to vector<16xi32>
      tpu.vector_store %arg9[%swap3A_242], %swap3A_245 {strides = array<i32>} : memref<128xi32, #tpu.memory_space<vmem>>, vector<16xi32>,
      %shift_right_logical3A_246 = arith.constant 16 : i32
      %shift_right_logical3A_247 = vector.broadcast %shift_right_logical3A_246 : i32 to vector<16xi32>
      %shift_right_logical3A_248 = arith.shrui %get3A_238, %shift_right_logical3A_247 : vector<16xi32>
      %swap3A_249 = arith.constant 64 : index
      %swap3A_250 = tpu.vector_load %arg10[%swap3A_249] {strides = array<i32>} : memref<128xi32, #tpu.memory_space<vmem>>, vector<16xi32>,
      %swap3A_251 = vector.shape_cast %swap3A_250 : vector<16xi32> to vector<16xi32>
      %swap3A_252 = vector.shape_cast %shift_right_logical3A_248 : vector<16xi32> to vector<16xi32>
      tpu.vector_store %arg10[%swap3A_249], %swap3A_252 {strides = array<i32>} : memref<128xi32, #tpu.memory_space<vmem>>, vector<16xi32>,
      %get3A_253 = arith.index_cast %add3A_162 : i32 to index
      %get3A_254 = arith.constant 80 : index
      %get3A_255 = tpu.vector_load %arg6[%get3A_253, %get3A_254] {strides = array<i32>} : memref<80x128xi32, #tpu.memory_space<vmem>>, vector<1x16xi32>,
      %get3A_256 = vector.shape_cast %get3A_255 : vector<1x16xi32> to vector<16xi32>
      %and3A_257 = arith.constant 65535 : i32
      %and3A_258 = vector.broadcast %and3A_257 : i32 to vector<16xi32>
      %and3A_259 = arith.andi %get3A_256, %and3A_258 : vector<16xi32>
      %swap3A_260 = arith.constant 80 : index
      %swap3A_261 = tpu.vector_load %arg9[%swap3A_260] {strides = array<i32>} : memref<128xi32, #tpu.memory_space<vmem>>, vector<16xi32>,
      %swap3A_262 = vector.shape_cast %swap3A_261 : vector<16xi32> to vector<16xi32>
      %swap3A_263 = vector.shape_cast %and3A_259 : vector<16xi32> to vector<16xi32>
      tpu.vector_store %arg9[%swap3A_260], %swap3A_263 {strides = array<i32>} : memref<128xi32, #tpu.memory_space<vmem>>, vector<16xi32>,
      %shift_right_logical3A_264 = arith.constant 16 : i32
      %shift_right_logical3A_265 = vector.broadcast %shift_right_logical3A_264 : i32 to vector<16xi32>
      %shift_right_logical3A_266 = arith.shrui %get3A_256, %shift_right_logical3A_265 : vector<16xi32>
      %swap3A_267 = arith.constant 80 : index
      %swap3A_268 = tpu.vector_load %arg10[%swap3A_267] {strides = array<i32>} : memref<128xi32, #tpu.memory_space<vmem>>, vector<16xi32>,
      %swap3A_269 = vector.shape_cast %swap3A_268 : vector<16xi32> to vector<16xi32>
      %swap3A_270 = vector.shape_cast %shift_right_logical3A_266 : vector<16xi32> to vector<16xi32>
      tpu.vector_store %arg10[%swap3A_267], %swap3A_270 {strides = array<i32>} : memref<128xi32, #tpu.memory_space<vmem>>, vector<16xi32>,
      %get3A_271 = arith.index_cast %add3A_162 : i32 to index
      %get3A_272 = arith.constant 96 : index
      %get3A_273 = tpu.vector_load %arg6[%get3A_271, %get3A_272] {strides = array<i32>} : memref<80x128xi32, #tpu.memory_space<vmem>>, vector<1x16xi32>,
      %get3A_274 = vector.shape_cast %get3A_273 : vector<1x16xi32> to vector<16xi32>
      %and3A_275 = arith.constant 65535 : i32
      %and3A_276 = vector.broadcast %and3A_275 : i32 to vector<16xi32>
      %and3A_277 = arith.andi %get3A_274, %and3A_276 : vector<16xi32>
      %swap3A_278 = arith.constant 96 : index
      %swap3A_279 = tpu.vector_load %arg9[%swap3A_278] {strides = array<i32>} : memref<128xi32, #tpu.memory_space<vmem>>, vector<16xi32>,
      %swap3A_280 = vector.shape_cast %swap3A_279 : vector<16xi32> to vector<16xi32>
      %swap3A_281 = vector.shape_cast %and3A_277 : vector<16xi32> to vector<16xi32>
      tpu.vector_store %arg9[%swap3A_278], %swap3A_281 {strides = array<i32>} : memref<128xi32, #tpu.memory_space<vmem>>, vector<16xi32>,
      %shift_right_logical3A_282 = arith.constant 16 : i32
      %shift_right_logical3A_283 = vector.broadcast %shift_right_logical3A_282 : i32 to vector<16xi32>
      %shift_right_logical3A_284 = arith.shrui %get3A_274, %shift_right_logical3A_283 : vector<16xi32>
      %swap3A_285 = arith.constant 96 : index
      %swap3A_286 = tpu.vector_load %arg10[%swap3A_285] {strides = array<i32>} : memref<128xi32, #tpu.memory_space<vmem>>, vector<16xi32>,
      %swap3A_287 = vector.shape_cast %swap3A_286 : vector<16xi32> to vector<16xi32>
      %swap3A_288 = vector.shape_cast %shift_right_logical3A_284 : vector<16xi32> to vector<16xi32>
      tpu.vector_store %arg10[%swap3A_285], %swap3A_288 {strides = array<i32>} : memref<128xi32, #tpu.memory_space<vmem>>, vector<16xi32>,
      %get3A_289 = arith.index_cast %add3A_162 : i32 to index
      %get3A_290 = arith.constant 112 : index
      %get3A_291 = tpu.vector_load %arg6[%get3A_289, %get3A_290] {strides = array<i32>} : memref<80x128xi32, #tpu.memory_space<vmem>>, vector<1x16xi32>,
      %get3A_292 = vector.shape_cast %get3A_291 : vector<1x16xi32> to vector<16xi32>
      %and3A_293 = arith.constant 65535 : i32
      %and3A_294 = vector.broadcast %and3A_293 : i32 to vector<16xi32>
      %and3A_295 = arith.andi %get3A_292, %and3A_294 : vector<16xi32>
      %swap3A_296 = arith.constant 112 : index
      %swap3A_297 = tpu.vector_load %arg9[%swap3A_296] {strides = array<i32>} : memref<128xi32, #tpu.memory_space<vmem>>, vector<16xi32>,
      %swap3A_298 = vector.shape_cast %swap3A_297 : vector<16xi32> to vector<16xi32>
      %swap3A_299 = vector.shape_cast %and3A_295 : vector<16xi32> to vector<16xi32>
      tpu.vector_store %arg9[%swap3A_296], %swap3A_299 {strides = array<i32>} : memref<128xi32, #tpu.memory_space<vmem>>, vector<16xi32>,
      %shift_right_logical3A_300 = arith.constant 16 : i32
      %shift_right_logical3A_301 = vector.broadcast %shift_right_logical3A_300 : i32 to vector<16xi32>
      %shift_right_logical3A_302 = arith.shrui %get3A_292, %shift_right_logical3A_301 : vector<16xi32>
      %swap3A_303 = arith.constant 112 : index
      %swap3A_304 = tpu.vector_load %arg10[%swap3A_303] {strides = array<i32>} : memref<128xi32, #tpu.memory_space<vmem>>, vector<16xi32>,
      %swap3A_305 = vector.shape_cast %swap3A_304 : vector<16xi32> to vector<16xi32>
      %swap3A_306 = vector.shape_cast %shift_right_logical3A_302 : vector<16xi32> to vector<16xi32>
      tpu.vector_store %arg10[%swap3A_303], %swap3A_306 {strides = array<i32>} : memref<128xi32, #tpu.memory_space<vmem>>, vector<16xi32>,
      %dma_start3A = arith.constant 0 : i32
      %dma_start3A_307 = arith.constant 0 : i32
      %dma_start3A_308 = tpu.memref_slice %arg4[%dma_start3A, %dma_start3A_307] : memref<10000x128xf32, #tpu.memory_space<hbm>> -> memref<10000x128xf32, #tpu.memory_space<hbm>>
      tpu.enqueue_indirect_dma source(%dma_start3A_308 : memref<10000x128xf32, #tpu.memory_space<hbm>>) target(%arg12 : memref<128x128xf32, #tpu.memory_space<vmem>>) offsets(%arg9 : memref<128xi32, #tpu.memory_space<vmem>>) semaphore(%arg14 : memref<!tpu.dma_semaphore, #tpu.memory_space<semaphore_mem>>)
      %dma_start3A_309 = arith.constant 0 : i32
      %dma_start3A_310 = arith.constant 0 : i32
      %dma_start3A_311 = tpu.memref_slice %arg13[%dma_start3A_309, %dma_start3A_310] : memref<10112x128xf32, #tpu.memory_space<vmem_shared>> -> memref<10112x128xf32, #tpu.memory_space<vmem_shared>>
      tpu.enqueue_indirect_dma source(%arg11 : memref<128x128xf32, #tpu.memory_space<vmem>>) target(%dma_start3A_311 : memref<10112x128xf32, #tpu.memory_space<vmem_shared>>) offsets(%arg8 : memref<128xi32, #tpu.memory_space<vmem>>) semaphore(%arg16 : memref<!tpu.dma_semaphore, #tpu.memory_space<semaphore_mem>>) {add = true}
      %dma_wait3A = arith.constant 0 : i32
      %dma_wait3A_312 = arith.constant 0 : i32
      %dma_wait3A_313 = tpu.memref_slice %arg4[%dma_wait3A, %dma_wait3A_312] : memref<10000x128xf32, #tpu.memory_space<hbm>> -> memref<10000x128xf32, #tpu.memory_space<hbm>>
      tpu.wait_indirect_dma semaphore(%arg14 : memref<!tpu.dma_semaphore, #tpu.memory_space<semaphore_mem>>) src(%dma_wait3A_313 : memref<10000x128xf32, #tpu.memory_space<hbm>>) dst(%arg12 : memref<128x128xf32, #tpu.memory_space<vmem>>)
      %dma_start3A_314 = arith.constant 0 : i32
      %dma_start3A_315 = arith.constant 0 : i32
      %dma_start3A_316 = tpu.memref_slice %arg13[%dma_start3A_314, %dma_start3A_315] : memref<10112x128xf32, #tpu.memory_space<vmem_shared>> -> memref<10112x128xf32, #tpu.memory_space<vmem_shared>>
      tpu.enqueue_indirect_dma source(%arg12 : memref<128x128xf32, #tpu.memory_space<vmem>>) target(%dma_start3A_316 : memref<10112x128xf32, #tpu.memory_space<vmem_shared>>) offsets(%arg10 : memref<128xi32, #tpu.memory_space<vmem>>) semaphore(%arg17 : memref<!tpu.dma_semaphore, #tpu.memory_space<semaphore_mem>>) {add = true}
      %dma_wait3A_317 = arith.constant 0 : i32
      %dma_wait3A_318 = arith.constant 0 : i32
      %dma_wait3A_319 = tpu.memref_slice %arg13[%dma_wait3A_317, %dma_wait3A_318] : memref<10112x128xf32, #tpu.memory_space<vmem_shared>> -> memref<10112x128xf32, #tpu.memory_space<vmem_shared>>
      tpu.wait_indirect_dma semaphore(%arg16 : memref<!tpu.dma_semaphore, #tpu.memory_space<semaphore_mem>>) src(%arg11 : memref<128x128xf32, #tpu.memory_space<vmem>>) dst(%dma_wait3A_319 : memref<10112x128xf32, #tpu.memory_space<vmem_shared>>)
      %add3A_320 = arith.constant 2 : i32
      %add3A_321 = arith.addi %add3A_160, %add3A_320 : i32
      %min3A = arith.constant 79 : i32
      %min3A_322 = arith.minsi %add3A_321, %min3A : i32
      %get3A_323 = arith.index_cast %min3A_322 : i32 to index
      %get3A_324 = arith.constant 0 : index
      %get3A_325 = tpu.vector_load %arg6[%get3A_323, %get3A_324] {strides = array<i32>} : memref<80x128xi32, #tpu.memory_space<vmem>>, vector<1x16xi32>,
      %get3A_326 = vector.shape_cast %get3A_325 : vector<1x16xi32> to vector<16xi32>
      %and3A_327 = arith.constant 65535 : i32
      %and3A_328 = vector.broadcast %and3A_327 : i32 to vector<16xi32>
      %and3A_329 = arith.andi %get3A_326, %and3A_328 : vector<16xi32>
      %swap3A_330 = arith.constant 0 : index
      %swap3A_331 = tpu.vector_load %arg7[%swap3A_330] {strides = array<i32>} : memref<128xi32, #tpu.memory_space<vmem>>, vector<16xi32>,
      %swap3A_332 = vector.shape_cast %swap3A_331 : vector<16xi32> to vector<16xi32>
      %swap3A_333 = vector.shape_cast %and3A_329 : vector<16xi32> to vector<16xi32>
      tpu.vector_store %arg7[%swap3A_330], %swap3A_333 {strides = array<i32>} : memref<128xi32, #tpu.memory_space<vmem>>, vector<16xi32>,
      %shift_right_logical3A_334 = arith.constant 16 : i32
      %shift_right_logical3A_335 = vector.broadcast %shift_right_logical3A_334 : i32 to vector<16xi32>
      %shift_right_logical3A_336 = arith.shrui %get3A_326, %shift_right_logical3A_335 : vector<16xi32>
      %swap3A_337 = arith.constant 0 : index
      %swap3A_338 = tpu.vector_load %arg8[%swap3A_337] {strides = array<i32>} : memref<128xi32, #tpu.memory_space<vmem>>, vector<16xi32>,
      %swap3A_339 = vector.shape_cast %swap3A_338 : vector<16xi32> to vector<16xi32>
      %swap3A_340 = vector.shape_cast %shift_right_logical3A_336 : vector<16xi32> to vector<16xi32>
      tpu.vector_store %arg8[%swap3A_337], %swap3A_340 {strides = array<i32>} : memref<128xi32, #tpu.memory_space<vmem>>, vector<16xi32>,
      %get3A_341 = arith.index_cast %min3A_322 : i32 to index
      %get3A_342 = arith.constant 16 : index
      %get3A_343 = tpu.vector_load %arg6[%get3A_341, %get3A_342] {strides = array<i32>} : memref<80x128xi32, #tpu.memory_space<vmem>>, vector<1x16xi32>,
      %get3A_344 = vector.shape_cast %get3A_343 : vector<1x16xi32> to vector<16xi32>
      %and3A_345 = arith.constant 65535 : i32
      %and3A_346 = vector.broadcast %and3A_345 : i32 to vector<16xi32>
      %and3A_347 = arith.andi %get3A_344, %and3A_346 : vector<16xi32>
      %swap3A_348 = arith.constant 16 : index
      %swap3A_349 = tpu.vector_load %arg7[%swap3A_348] {strides = array<i32>} : memref<128xi32, #tpu.memory_space<vmem>>, vector<16xi32>,
      %swap3A_350 = vector.shape_cast %swap3A_349 : vector<16xi32> to vector<16xi32>
      %swap3A_351 = vector.shape_cast %and3A_347 : vector<16xi32> to vector<16xi32>
      tpu.vector_store %arg7[%swap3A_348], %swap3A_351 {strides = array<i32>} : memref<128xi32, #tpu.memory_space<vmem>>, vector<16xi32>,
      %shift_right_logical3A_352 = arith.constant 16 : i32
      %shift_right_logical3A_353 = vector.broadcast %shift_right_logical3A_352 : i32 to vector<16xi32>
      %shift_right_logical3A_354 = arith.shrui %get3A_344, %shift_right_logical3A_353 : vector<16xi32>
      %swap3A_355 = arith.constant 16 : index
      %swap3A_356 = tpu.vector_load %arg8[%swap3A_355] {strides = array<i32>} : memref<128xi32, #tpu.memory_space<vmem>>, vector<16xi32>,
      %swap3A_357 = vector.shape_cast %swap3A_356 : vector<16xi32> to vector<16xi32>
      %swap3A_358 = vector.shape_cast %shift_right_logical3A_354 : vector<16xi32> to vector<16xi32>
      tpu.vector_store %arg8[%swap3A_355], %swap3A_358 {strides = array<i32>} : memref<128xi32, #tpu.memory_space<vmem>>, vector<16xi32>,
      %get3A_359 = arith.index_cast %min3A_322 : i32 to index
      %get3A_360 = arith.constant 32 : index
      %get3A_361 = tpu.vector_load %arg6[%get3A_359, %get3A_360] {strides = array<i32>} : memref<80x128xi32, #tpu.memory_space<vmem>>, vector<1x16xi32>,
      %get3A_362 = vector.shape_cast %get3A_361 : vector<1x16xi32> to vector<16xi32>
      %and3A_363 = arith.constant 65535 : i32
      %and3A_364 = vector.broadcast %and3A_363 : i32 to vector<16xi32>
      %and3A_365 = arith.andi %get3A_362, %and3A_364 : vector<16xi32>
      %swap3A_366 = arith.constant 32 : index
      %swap3A_367 = tpu.vector_load %arg7[%swap3A_366] {strides = array<i32>} : memref<128xi32, #tpu.memory_space<vmem>>, vector<16xi32>,
      %swap3A_368 = vector.shape_cast %swap3A_367 : vector<16xi32> to vector<16xi32>
      %swap3A_369 = vector.shape_cast %and3A_365 : vector<16xi32> to vector<16xi32>
      tpu.vector_store %arg7[%swap3A_366], %swap3A_369 {strides = array<i32>} : memref<128xi32, #tpu.memory_space<vmem>>, vector<16xi32>,
      %shift_right_logical3A_370 = arith.constant 16 : i32
      %shift_right_logical3A_371 = vector.broadcast %shift_right_logical3A_370 : i32 to vector<16xi32>
      %shift_right_logical3A_372 = arith.shrui %get3A_362, %shift_right_logical3A_371 : vector<16xi32>
      %swap3A_373 = arith.constant 32 : index
      %swap3A_374 = tpu.vector_load %arg8[%swap3A_373] {strides = array<i32>} : memref<128xi32, #tpu.memory_space<vmem>>, vector<16xi32>,
      %swap3A_375 = vector.shape_cast %swap3A_374 : vector<16xi32> to vector<16xi32>
      %swap3A_376 = vector.shape_cast %shift_right_logical3A_372 : vector<16xi32> to vector<16xi32>
      tpu.vector_store %arg8[%swap3A_373], %swap3A_376 {strides = array<i32>} : memref<128xi32, #tpu.memory_space<vmem>>, vector<16xi32>,
      %get3A_377 = arith.index_cast %min3A_322 : i32 to index
      %get3A_378 = arith.constant 48 : index
      %get3A_379 = tpu.vector_load %arg6[%get3A_377, %get3A_378] {strides = array<i32>} : memref<80x128xi32, #tpu.memory_space<vmem>>, vector<1x16xi32>,
      %get3A_380 = vector.shape_cast %get3A_379 : vector<1x16xi32> to vector<16xi32>
      %and3A_381 = arith.constant 65535 : i32
      %and3A_382 = vector.broadcast %and3A_381 : i32 to vector<16xi32>
      %and3A_383 = arith.andi %get3A_380, %and3A_382 : vector<16xi32>
      %swap3A_384 = arith.constant 48 : index
      %swap3A_385 = tpu.vector_load %arg7[%swap3A_384] {strides = array<i32>} : memref<128xi32, #tpu.memory_space<vmem>>, vector<16xi32>,
      %swap3A_386 = vector.shape_cast %swap3A_385 : vector<16xi32> to vector<16xi32>
      %swap3A_387 = vector.shape_cast %and3A_383 : vector<16xi32> to vector<16xi32>
      tpu.vector_store %arg7[%swap3A_384], %swap3A_387 {strides = array<i32>} : memref<128xi32, #tpu.memory_space<vmem>>, vector<16xi32>,
      %shift_right_logical3A_388 = arith.constant 16 : i32
      %shift_right_logical3A_389 = vector.broadcast %shift_right_logical3A_388 : i32 to vector<16xi32>
      %shift_right_logical3A_390 = arith.shrui %get3A_380, %shift_right_logical3A_389 : vector<16xi32>
      %swap3A_391 = arith.constant 48 : index
      %swap3A_392 = tpu.vector_load %arg8[%swap3A_391] {strides = array<i32>} : memref<128xi32, #tpu.memory_space<vmem>>, vector<16xi32>,
      %swap3A_393 = vector.shape_cast %swap3A_392 : vector<16xi32> to vector<16xi32>
      %swap3A_394 = vector.shape_cast %shift_right_logical3A_390 : vector<16xi32> to vector<16xi32>
      tpu.vector_store %arg8[%swap3A_391], %swap3A_394 {strides = array<i32>} : memref<128xi32, #tpu.memory_space<vmem>>, vector<16xi32>,
      %get3A_395 = arith.index_cast %min3A_322 : i32 to index
      %get3A_396 = arith.constant 64 : index
      %get3A_397 = tpu.vector_load %arg6[%get3A_395, %get3A_396] {strides = array<i32>} : memref<80x128xi32, #tpu.memory_space<vmem>>, vector<1x16xi32>,
      %get3A_398 = vector.shape_cast %get3A_397 : vector<1x16xi32> to vector<16xi32>
      %and3A_399 = arith.constant 65535 : i32
      %and3A_400 = vector.broadcast %and3A_399 : i32 to vector<16xi32>
      %and3A_401 = arith.andi %get3A_398, %and3A_400 : vector<16xi32>
      %swap3A_402 = arith.constant 64 : index
      %swap3A_403 = tpu.vector_load %arg7[%swap3A_402] {strides = array<i32>} : memref<128xi32, #tpu.memory_space<vmem>>, vector<16xi32>,
      %swap3A_404 = vector.shape_cast %swap3A_403 : vector<16xi32> to vector<16xi32>
      %swap3A_405 = vector.shape_cast %and3A_401 : vector<16xi32> to vector<16xi32>
      tpu.vector_store %arg7[%swap3A_402], %swap3A_405 {strides = array<i32>} : memref<128xi32, #tpu.memory_space<vmem>>, vector<16xi32>,
      %shift_right_logical3A_406 = arith.constant 16 : i32
      %shift_right_logical3A_407 = vector.broadcast %shift_right_logical3A_406 : i32 to vector<16xi32>
      %shift_right_logical3A_408 = arith.shrui %get3A_398, %shift_right_logical3A_407 : vector<16xi32>
      %swap3A_409 = arith.constant 64 : index
      %swap3A_410 = tpu.vector_load %arg8[%swap3A_409] {strides = array<i32>} : memref<128xi32, #tpu.memory_space<vmem>>, vector<16xi32>,
      %swap3A_411 = vector.shape_cast %swap3A_410 : vector<16xi32> to vector<16xi32>
      %swap3A_412 = vector.shape_cast %shift_right_logical3A_408 : vector<16xi32> to vector<16xi32>
      tpu.vector_store %arg8[%swap3A_409], %swap3A_412 {strides = array<i32>} : memref<128xi32, #tpu.memory_space<vmem>>, vector<16xi32>,
      %get3A_413 = arith.index_cast %min3A_322 : i32 to index
      %get3A_414 = arith.constant 80 : index
      %get3A_415 = tpu.vector_load %arg6[%get3A_413, %get3A_414] {strides = array<i32>} : memref<80x128xi32, #tpu.memory_space<vmem>>, vector<1x16xi32>,
      %get3A_416 = vector.shape_cast %get3A_415 : vector<1x16xi32> to vector<16xi32>
      %and3A_417 = arith.constant 65535 : i32
      %and3A_418 = vector.broadcast %and3A_417 : i32 to vector<16xi32>
      %and3A_419 = arith.andi %get3A_416, %and3A_418 : vector<16xi32>
      %swap3A_420 = arith.constant 80 : index
      %swap3A_421 = tpu.vector_load %arg7[%swap3A_420] {strides = array<i32>} : memref<128xi32, #tpu.memory_space<vmem>>, vector<16xi32>,
      %swap3A_422 = vector.shape_cast %swap3A_421 : vector<16xi32> to vector<16xi32>
      %swap3A_423 = vector.shape_cast %and3A_419 : vector<16xi32> to vector<16xi32>
      tpu.vector_store %arg7[%swap3A_420], %swap3A_423 {strides = array<i32>} : memref<128xi32, #tpu.memory_space<vmem>>, vector<16xi32>,
      %shift_right_logical3A_424 = arith.constant 16 : i32
      %shift_right_logical3A_425 = vector.broadcast %shift_right_logical3A_424 : i32 to vector<16xi32>
      %shift_right_logical3A_426 = arith.shrui %get3A_416, %shift_right_logical3A_425 : vector<16xi32>
      %swap3A_427 = arith.constant 80 : index
      %swap3A_428 = tpu.vector_load %arg8[%swap3A_427] {strides = array<i32>} : memref<128xi32, #tpu.memory_space<vmem>>, vector<16xi32>,
      %swap3A_429 = vector.shape_cast %swap3A_428 : vector<16xi32> to vector<16xi32>
      %swap3A_430 = vector.shape_cast %shift_right_logical3A_426 : vector<16xi32> to vector<16xi32>
      tpu.vector_store %arg8[%swap3A_427], %swap3A_430 {strides = array<i32>} : memref<128xi32, #tpu.memory_space<vmem>>, vector<16xi32>,
      %get3A_431 = arith.index_cast %min3A_322 : i32 to index
      %get3A_432 = arith.constant 96 : index
      %get3A_433 = tpu.vector_load %arg6[%get3A_431, %get3A_432] {strides = array<i32>} : memref<80x128xi32, #tpu.memory_space<vmem>>, vector<1x16xi32>,
      %get3A_434 = vector.shape_cast %get3A_433 : vector<1x16xi32> to vector<16xi32>
      %and3A_435 = arith.constant 65535 : i32
      %and3A_436 = vector.broadcast %and3A_435 : i32 to vector<16xi32>
      %and3A_437 = arith.andi %get3A_434, %and3A_436 : vector<16xi32>
      %swap3A_438 = arith.constant 96 : index
      %swap3A_439 = tpu.vector_load %arg7[%swap3A_438] {strides = array<i32>} : memref<128xi32, #tpu.memory_space<vmem>>, vector<16xi32>,
      %swap3A_440 = vector.shape_cast %swap3A_439 : vector<16xi32> to vector<16xi32>
      %swap3A_441 = vector.shape_cast %and3A_437 : vector<16xi32> to vector<16xi32>
      tpu.vector_store %arg7[%swap3A_438], %swap3A_441 {strides = array<i32>} : memref<128xi32, #tpu.memory_space<vmem>>, vector<16xi32>,
      %shift_right_logical3A_442 = arith.constant 16 : i32
      %shift_right_logical3A_443 = vector.broadcast %shift_right_logical3A_442 : i32 to vector<16xi32>
      %shift_right_logical3A_444 = arith.shrui %get3A_434, %shift_right_logical3A_443 : vector<16xi32>
      %swap3A_445 = arith.constant 96 : index
      %swap3A_446 = tpu.vector_load %arg8[%swap3A_445] {strides = array<i32>} : memref<128xi32, #tpu.memory_space<vmem>>, vector<16xi32>,
      %swap3A_447 = vector.shape_cast %swap3A_446 : vector<16xi32> to vector<16xi32>
      %swap3A_448 = vector.shape_cast %shift_right_logical3A_444 : vector<16xi32> to vector<16xi32>
      tpu.vector_store %arg8[%swap3A_445], %swap3A_448 {strides = array<i32>} : memref<128xi32, #tpu.memory_space<vmem>>, vector<16xi32>,
      %get3A_449 = arith.index_cast %min3A_322 : i32 to index
      %get3A_450 = arith.constant 112 : index
      %get3A_451 = tpu.vector_load %arg6[%get3A_449, %get3A_450] {strides = array<i32>} : memref<80x128xi32, #tpu.memory_space<vmem>>, vector<1x16xi32>,
      %get3A_452 = vector.shape_cast %get3A_451 : vector<1x16xi32> to vector<16xi32>
      %and3A_453 = arith.constant 65535 : i32
      %and3A_454 = vector.broadcast %and3A_453 : i32 to vector<16xi32>
      %and3A_455 = arith.andi %get3A_452, %and3A_454 : vector<16xi32>
      %swap3A_456 = arith.constant 112 : index
      %swap3A_457 = tpu.vector_load %arg7[%swap3A_456] {strides = array<i32>} : memref<128xi32, #tpu.memory_space<vmem>>, vector<16xi32>,
      %swap3A_458 = vector.shape_cast %swap3A_457 : vector<16xi32> to vector<16xi32>
      %swap3A_459 = vector.shape_cast %and3A_455 : vector<16xi32> to vector<16xi32>
      tpu.vector_store %arg7[%swap3A_456], %swap3A_459 {strides = array<i32>} : memref<128xi32, #tpu.memory_space<vmem>>, vector<16xi32>,
      %shift_right_logical3A_460 = arith.constant 16 : i32
      %shift_right_logical3A_461 = vector.broadcast %shift_right_logical3A_460 : i32 to vector<16xi32>
      %shift_right_logical3A_462 = arith.shrui %get3A_452, %shift_right_logical3A_461 : vector<16xi32>
      %swap3A_463 = arith.constant 112 : index
      %swap3A_464 = tpu.vector_load %arg8[%swap3A_463] {strides = array<i32>} : memref<128xi32, #tpu.memory_space<vmem>>, vector<16xi32>,
      %swap3A_465 = vector.shape_cast %swap3A_464 : vector<16xi32> to vector<16xi32>
      %swap3A_466 = vector.shape_cast %shift_right_logical3A_462 : vector<16xi32> to vector<16xi32>
      tpu.vector_store %arg8[%swap3A_463], %swap3A_466 {strides = array<i32>} : memref<128xi32, #tpu.memory_space<vmem>>, vector<16xi32>,
      %dma_start3A_467 = arith.constant 0 : i32
      %dma_start3A_468 = arith.constant 0 : i32
      %dma_start3A_469 = tpu.memref_slice %arg4[%dma_start3A_467, %dma_start3A_468] : memref<10000x128xf32, #tpu.memory_space<hbm>> -> memref<10000x128xf32, #tpu.memory_space<hbm>>
      tpu.enqueue_indirect_dma source(%dma_start3A_469 : memref<10000x128xf32, #tpu.memory_space<hbm>>) target(%arg11 : memref<128x128xf32, #tpu.memory_space<vmem>>) offsets(%arg7 : memref<128xi32, #tpu.memory_space<vmem>>) semaphore(%arg15 : memref<!tpu.dma_semaphore, #tpu.memory_space<semaphore_mem>>)
      %dma_wait3A_470 = arith.constant 0 : i32
      %dma_wait3A_471 = arith.constant 0 : i32
      %dma_wait3A_472 = tpu.memref_slice %arg13[%dma_wait3A_470, %dma_wait3A_471] : memref<10112x128xf32, #tpu.memory_space<vmem_shared>> -> memref<10112x128xf32, #tpu.memory_space<vmem_shared>>
      tpu.wait_indirect_dma semaphore(%arg17 : memref<!tpu.dma_semaphore, #tpu.memory_space<semaphore_mem>>) src(%arg12 : memref<128x128xf32, #tpu.memory_space<vmem>>) dst(%dma_wait3A_472 : memref<10112x128xf32, #tpu.memory_space<vmem_shared>>)
      %dma_wait3A_473 = arith.constant 0 : i32
      %dma_wait3A_474 = arith.constant 0 : i32
      %dma_wait3A_475 = tpu.memref_slice %arg4[%dma_wait3A_473, %dma_wait3A_474] : memref<10000x128xf32, #tpu.memory_space<hbm>> -> memref<10000x128xf32, #tpu.memory_space<hbm>>
      tpu.wait_indirect_dma semaphore(%arg15 : memref<!tpu.dma_semaphore, #tpu.memory_space<semaphore_mem>>) src(%dma_wait3A_475 : memref<10000x128xf32, #tpu.memory_space<hbm>>) dst(%arg11 : memref<128x128xf32, #tpu.memory_space<vmem>>)
    }
    %scan3A_154 = arith.constant 40 : i32
    %barrier3A_155 = arith.constant 0 : index
    tpu.barrier barrier_id(%barrier3A_155)
    "tpu.region"() ({
      %run_scoped3A = tpu.sem_alloc : memref<!tpu.dma_semaphore, #tpu.memory_space<semaphore_mem>>
      %dma_start3A = arith.constant 0 : i32
      %dma_start3A_156 = tpu.memref_slice %arg5[%arg0, %mul3A_2, %dma_start3A] : memref<2x10112x128xf32, #tpu.memory_space<hbm>> -> memref<1x632x128xf32, #tpu.memory_space<hbm>>
      %dma_start3A_157 = tpu.memref_squeeze %dma_start3A_156 : memref<1x632x128xf32, #tpu.memory_space<hbm>> -> memref<632x128xf32, #tpu.memory_space<hbm>>
      %dma_start3A_158 = arith.constant 0 : i32
      %dma_start3A_159 = tpu.memref_slice %arg13[%mul3A_2, %dma_start3A_158] : memref<10112x128xf32, #tpu.memory_space<vmem_shared>> -> memref<632x128xf32, #tpu.memory_space<vmem_shared>>
      tpu.enqueue_dma source(%dma_start3A_159 : memref<632x128xf32, #tpu.memory_space<vmem_shared>>) target(%dma_start3A_157 : memref<632x128xf32, #tpu.memory_space<hbm>>) target_semaphore(%run_scoped3A : memref<!tpu.dma_semaphore, #tpu.memory_space<semaphore_mem>>)
      %dma_wait3A = arith.constant 0 : i32
      %dma_wait3A_160 = tpu.memref_slice %arg5[%arg0, %mul3A_2, %dma_wait3A] : memref<2x10112x128xf32, #tpu.memory_space<hbm>> -> memref<1x632x128xf32, #tpu.memory_space<hbm>>
      %dma_wait3A_161 = tpu.memref_squeeze %dma_wait3A_160 : memref<1x632x128xf32, #tpu.memory_space<hbm>> -> memref<632x128xf32, #tpu.memory_space<hbm>>
      %dma_wait3A_162 = arith.constant 0 : i32
      %dma_wait3A_163 = tpu.memref_slice %arg13[%mul3A_2, %dma_wait3A_162] : memref<10112x128xf32, #tpu.memory_space<vmem_shared>> -> memref<632x128xf32, #tpu.memory_space<vmem_shared>>
      tpu.wait_dma2 semaphore(%run_scoped3A : memref<!tpu.dma_semaphore, #tpu.memory_space<semaphore_mem>>) src(%dma_wait3A_163 : memref<632x128xf32, #tpu.memory_space<vmem_shared>>) dst(%dma_wait3A_161 : memref<632x128xf32, #tpu.memory_space<hbm>>)
      tpu.yield
    }) : () -> ()
    return
  }
}

module attributes {stable_mosaic.version = 14 : i64} {
  func.func @body(%arg0: memref<10000x128xf32, #tpu.memory_space<vmem>>, %arg1: memref<2x10112x128xf32, #tpu.memory_space<vmem>>, %arg2: memref<128x128xf32, #tpu.memory_space<vmem>>, %arg3: memref<1x128xf32, #tpu.memory_space<vmem>>, %arg4: memref<128x128xf32, #tpu.memory_space<vmem>>, %arg5: memref<1x128xf32, #tpu.memory_space<vmem>>, %arg6: memref<1x128xf32, #tpu.memory_space<vmem>>, %arg7: memref<1x128xf32, #tpu.memory_space<vmem>>, %arg8: memref<10000x128xf32, #tpu.memory_space<vmem>>) attributes {dimension_semantics = [], scalar_prefetch = 0 : i64, scratch_operands = 0 : i64, tpu.core_type = #tpu.core_type<tc>} {
    %get3A = arith.constant 0 : index
    %get3A_0 = arith.constant 0 : index
    %get3A_1 = vector.load %arg0[%get3A, %get3A_0] : memref<10000x128xf32, #tpu.memory_space<vmem>>, vector<10000x128xf32>
    %get3A_2 = arith.constant 0 : index
    %get3A_3 = arith.constant 0 : index
    %get3A_4 = arith.constant 0 : index
    %get3A_5 = vector.load %arg1[%get3A_2, %get3A_3, %get3A_4] : memref<2x10112x128xf32, #tpu.memory_space<vmem>>, vector<1x10000x128xf32>
    %get3A_6 = vector.shape_cast %get3A_5 : vector<1x10000x128xf32> to vector<10000x128xf32>
    %add3A = arith.addf %get3A_1, %get3A_6 : vector<10000x128xf32>
    %get3A_7 = arith.constant 1 : index
    %get3A_8 = arith.constant 0 : index
    %get3A_9 = arith.constant 0 : index
    %get3A_10 = vector.load %arg1[%get3A_7, %get3A_8, %get3A_9] : memref<2x10112x128xf32, #tpu.memory_space<vmem>>, vector<1x10000x128xf32>
    %get3A_11 = vector.shape_cast %get3A_10 : vector<1x10000x128xf32> to vector<10000x128xf32>
    %add3A_12 = arith.addf %add3A, %get3A_11 : vector<10000x128xf32>
    %get3A_13 = arith.constant 0 : index
    %get3A_14 = arith.constant 0 : index
    %get3A_15 = vector.load %arg2[%get3A_13, %get3A_14] : memref<128x128xf32, #tpu.memory_space<vmem>>, vector<128x128xf32>
    %dot_general3A = arith.constant dense<0.000000e+00> : vector<10000x128xf32>
    %dot_general3A_16 = tpu.matmul %add3A_12, %get3A_15, %dot_general3A {dimension_numbers = #tpu.dot_dimension_numbers<[1], [1], [0], [0], [0, 0, 1, 0], [], []>, transpose_lhs_hint = false} : vector<10000x128xf32>, vector<128x128xf32>, vector<10000x128xf32> -> vector<10000x128xf32>
    %get3A_17 = arith.constant 0 : index
    %get3A_18 = arith.constant 0 : index
    %get3A_19 = vector.load %arg3[%get3A_17, %get3A_18] : memref<1x128xf32, #tpu.memory_space<vmem>>, vector<1x128xf32>
    %add3A_20 = vector.broadcast %get3A_19 : vector<1x128xf32> to vector<10000x128xf32>
    %add3A_21 = arith.addf %dot_general3A_16, %add3A_20 : vector<10000x128xf32>
    %max3A = arith.constant 0.000000e+00 : f32
    %max3A_22 = vector.broadcast %max3A : f32 to vector<10000x128xf32>
    %max3A_23 = arith.maximumf %add3A_21, %max3A_22 : vector<10000x128xf32>
    %get3A_24 = arith.constant 0 : index
    %get3A_25 = arith.constant 0 : index
    %get3A_26 = vector.load %arg4[%get3A_24, %get3A_25] : memref<128x128xf32, #tpu.memory_space<vmem>>, vector<128x128xf32>
    %dot_general3A_27 = arith.constant dense<0.000000e+00> : vector<10000x128xf32>
    %dot_general3A_28 = tpu.matmul %max3A_23, %get3A_26, %dot_general3A_27 {dimension_numbers = #tpu.dot_dimension_numbers<[1], [1], [0], [0], [0, 0, 1, 0], [], []>, transpose_lhs_hint = false} : vector<10000x128xf32>, vector<128x128xf32>, vector<10000x128xf32> -> vector<10000x128xf32>
    %get3A_29 = arith.constant 0 : index
    %get3A_30 = arith.constant 0 : index
    %get3A_31 = vector.load %arg5[%get3A_29, %get3A_30] : memref<1x128xf32, #tpu.memory_space<vmem>>, vector<1x128xf32>
    %add3A_32 = vector.broadcast %get3A_31 : vector<1x128xf32> to vector<10000x128xf32>
    %add3A_33 = arith.addf %dot_general3A_28, %add3A_32 : vector<10000x128xf32>
    %max3A_34 = arith.constant 0.000000e+00 : f32
    %max3A_35 = vector.broadcast %max3A_34 : f32 to vector<10000x128xf32>
    %max3A_36 = arith.maximumf %add3A_33, %max3A_35 : vector<10000x128xf32>
    %reduce_sum3A = arith.constant dense<0.000000e+00> : vector<128xf32>
    %reduce_sum3A_37 = vector.multi_reduction <add>, %max3A_36, %reduce_sum3A [0] : vector<10000x128xf32> to vector<128xf32>
    %broadcast_in_dim3A = vector.shape_cast %reduce_sum3A_37 : vector<128xf32> to vector<1x128xf32>
    %div3A = arith.constant 1.000000e+04 : f32
    %div3A_38 = vector.broadcast %div3A : f32 to vector<1x128xf32>
    %div3A_39 = arith.divf %broadcast_in_dim3A, %div3A_38 : vector<1x128xf32>
    %sub3A = vector.broadcast %div3A_39 : vector<1x128xf32> to vector<10000x128xf32>
    %sub3A_40 = arith.subf %max3A_36, %sub3A : vector<10000x128xf32>
    %mul3A = arith.mulf %sub3A_40, %sub3A_40 : vector<10000x128xf32>
    %reduce_sum3A_41 = arith.constant dense<0.000000e+00> : vector<128xf32>
    %reduce_sum3A_42 = vector.multi_reduction <add>, %mul3A, %reduce_sum3A_41 [0] : vector<10000x128xf32> to vector<128xf32>
    %broadcast_in_dim3A_43 = vector.shape_cast %reduce_sum3A_42 : vector<128xf32> to vector<1x128xf32>
    %div3A_44 = arith.constant 1.000000e+04 : f32
    %div3A_45 = vector.broadcast %div3A_44 : f32 to vector<1x128xf32>
    %div3A_46 = arith.divf %broadcast_in_dim3A_43, %div3A_45 : vector<1x128xf32>
    %get3A_47 = arith.constant 0 : index
    %get3A_48 = arith.constant 0 : index
    %get3A_49 = vector.load %arg6[%get3A_47, %get3A_48] : memref<1x128xf32, #tpu.memory_space<vmem>>, vector<1x128xf32>
    %mul3A_50 = vector.broadcast %get3A_49 : vector<1x128xf32> to vector<10000x128xf32>
    %mul3A_51 = arith.mulf %mul3A_50, %sub3A_40 : vector<10000x128xf32>
    %add3A_52 = arith.constant 9.99999974E-6 : f32
    %add3A_53 = vector.broadcast %add3A_52 : f32 to vector<1x128xf32>
    %add3A_54 = arith.addf %div3A_46, %add3A_53 : vector<1x128xf32>
    %rsqrt3A = math.rsqrt %add3A_54 : vector<1x128xf32>
    %mul3A_55 = vector.broadcast %rsqrt3A : vector<1x128xf32> to vector<10000x128xf32>
    %mul3A_56 = arith.mulf %mul3A_51, %mul3A_55 : vector<10000x128xf32>
    %get3A_57 = arith.constant 0 : index
    %get3A_58 = arith.constant 0 : index
    %get3A_59 = vector.load %arg7[%get3A_57, %get3A_58] : memref<1x128xf32, #tpu.memory_space<vmem>>, vector<1x128xf32>
    %add3A_60 = vector.broadcast %get3A_59 : vector<1x128xf32> to vector<10000x128xf32>
    %add3A_61 = arith.addf %mul3A_56, %add3A_60 : vector<10000x128xf32>
    %swap3A = arith.constant 0 : index
    %swap3A_62 = arith.constant 0 : index
    %swap3A_63 = vector.load %arg8[%swap3A, %swap3A_62] : memref<10000x128xf32, #tpu.memory_space<vmem>>, vector<10000x128xf32>
    tpu.vector_store %arg8[%swap3A, %swap3A_62], %add3A_61 {strides = array<i32>} : memref<10000x128xf32, #tpu.memory_space<vmem>>, vector<10000x128xf32>,
    return
  }
}

</mosaic_0001>

<sc_bundles>
// kernel: kernel.4.cloned.1.call-start
scs
__scs_entry_jumppad:
0x0: {  	(pc) =	sbr.rel $0x88, $3  }
0x1: {  	(tag) =	ssettag $0x0;
	lr =	simm.s32 $0x1  }
0x2: {  	[smem:$0x3F99] =	sst lr;
	_ =	strace $0xD0000000  }
0x3: {  	_ = 	snop  }
0x4: {  	_ = 	snop  }
0x5: {  	_ = 	snop  }
0x6: {  	_ = 	snop  }
0x7: {  	_ = 	snop  }
__scs_overlays_trampoline_lowered:
0x8: {  	[smem:$0x3FA8] =	sst s0  }
0x9: {  	[smem:$0x3FA9] =	sst s1  }
0xa: {  	[smem:$0x3FAA] =	sst s2  }
0xb: {  	[smem:$0x3FAB] =	sst s3  }
0xc: {  	[smem:$0x3FAC] =	sst s4  }
0xd: {  	[smem:$0x3FAD] =	sst s5  }
0xe: {  	[smem:$0x3FAE] =	sst s6  }
0xf: {  	[smem:$0x3FAF] =	sst s7  }
0x10: {  	[smem:$0x3FB0] =	sst s8  }
0x11: {  	[smem:$0x3FB1] =	sst s9;
	s0 =	simm.s32 @!p0 $0x0  }
0x12: {  	s1 =	sld [smem:$0x3F97];
	s0 =	simm.s32 @p0 $0x1  }
0x13: {  	[smem:$0x3FB2] =	sst s0;
	s0 =	simm.s32 @!p1 $0x0  }
0x14: {  	s2 =	sld [smem:$0x3F96];
	s0 =	simm.s32 @p1 $0x1  }
0x15: {  	[smem:$0x3FB3] =	sst s0;
	s0 =	simm.s32 @!p2 $0x0  }
0x16: {  	s3 =	sld [smem:$0x3FDB];
	s0 =	simm.s32 @p2 $0x1  }
0x17: {  	s4 =	simm.s32 $0x1BF5;
	[smem:$0x3FB5] =	sst s0  }
0x18: {  	s0 =	sld [smem:$0x3F98];
	_ =	swait.ge [sflag:s4], $0x0  }
0x19: {  	s7 =	sld [smem:$0x3F99]  }
0x1a: {  	s8 =	sadd.s32 $0xFFFFE003, lr  }
0x1b: {  	s9 =	sadd.s32 $0xFFFFFEF7, lr;
	s5 =	simm.s32 $0xFFFFFFFF;
	p2 =	slt.u32 s8, $0xFFFFF086  }
0x1c: {  	p1 =	slt.u32 s9, $0xF7A;
	s5 =	simm.s32 @!p2 $0x0  }
0x1d: {  	s5 =	simm.s32 @p1 $0x1;
	p0 =	seq.s32 s7, s2  }
0x1e: {  	s7 =	smul.u32 @!p0 $0xF7A, s2;
	p2 =	seq.s32 @!p0 s5, $0x0  }
0x1f: {  	s9 =	smul.u32 $0xF7A, s1;
	s8 =	simm.s32 @!p0 $0x1BF5;
	p2 =	por !p2, p0  }
0x20: {  	[sflag:s8] =	ssyncset.s32 @!p0 $0xFFFFF086;
	s6 =	sadd.s32 @!p0 s3, s7;
	s7 =	simm.s32 @!p0 $0x108  }
0x21: {  	s3 =	sadd.s32 s3, s9;
	s6 =	sadd.s32 @!p0 $0x88, s6;
	s7 =	simm.s32 @p2 $0x1082  }
0x22: {  	[simem:s7], [sflag:s8] =	dma.local @!p0 [hbm:s6], $0xF7A  }
0x23: {  	s9 =	sor.u32 $0xD0000000, s2;
	s6 =	simm.s32 $0x108;
	_ =	swait.ge @!p0 [sflag:s8], $0x0  }
0x24: {  	s3 =	sadd.s32 $0x88, s3;
	s6 =	simm.s32 @!p1 $0x1082;
	[sflag:s4] =	ssyncset.s32 $0xFFFFF086  }
0x25: {  	[simem:s6], [sflag:s4] =	dma.local [hbm:s3], $0xF7A  }
0x26: {  	[smem:$0x3F99] =	sst s1;
	(tag) =	ssettag s2;
	_ =	strace s9  }
0x27: {  	s1 =	sld [smem:$0x3FA9]  }
0x28: {  	s2 =	sld [smem:$0x3FAA]  }
0x29: {  	s4 =	sld [smem:$0x3FAC]  }
0x2a: {  	p0 =	seq.s32 s5, $0x0;
	s5 =	sld [smem:$0x3FAD]  }
0x2b: {  	s6 =	sld [smem:$0x3FAE]  }
0x2c: {  	s7 =	sld [smem:$0x3FAF]  }
0x2d: {  	s3 =	simm.s32 $0x108;
	s8 =	sld [smem:$0x3FB0]  }
0x2e: {  	s3 =	simm.s32 @!p0 $0x1082;
	s9 =	sld [smem:$0x3FB1]  }
0x2f: {  	lr =	sadd.s32 s0, s3;
	s0 =	sld [smem:$0x3FA8]  }
0x30: {  	s3 =	sld [smem:$0x3FAB]  }
0x31: {  	[smem:$0x3FB4] =	sst s10  }
0x32: {  	s10 =	sld [smem:$0x3FB2];
	_ =	sdelay $0x3  }
0x33: {  	p0 =	seq.s32 s10, $0x1;
	s10 =	sld [smem:$0x3FB4];
	_ =	sdelay $0x3  }
0x34: {  	[smem:$0x3FB4] =	sst s10  }
0x35: {  	s10 =	sld [smem:$0x3FB3];
	_ =	sdelay $0x3  }
0x36: {  	p1 =	seq.s32 s10, $0x1;
	s10 =	sld [smem:$0x3FB4];
	_ =	sdelay $0x3  }
0x37: {  	[smem:$0x3FB4] =	sst s10  }
0x38: {  	s10 =	sld [smem:$0x3FB5]  }
0x39: {  	_ = 	snop;
	(pc) =	sbr.ind lr, $3  }
0x3a: {  	_ = 	snop  }
0x3b: {  	_ = 	snop  }
0x3c: {  	p2 =	seq.s32 s10, $0x1;
	s10 =	sld [smem:$0x3FB4]  }
0x3d: {  	_ =	shalt  }
0x3e: {  	_ =	shalt  }
0x3f: {  	_ =	shalt  }
0x40: {  	_ =	shalt  }
0x41: {  	_ =	shalt  }
0x42: {  	_ =	shalt  }
0x43: {  	_ =	shalt  }
0x44: {  	_ =	shalt  }
0x45: {  	_ =	shalt  }
0x46: {  	_ =	shalt  }
0x47: {  	_ =	shalt  }
0x48: {  	_ =	shalt  }
0x49: {  	_ =	shalt  }
0x4a: {  	_ =	shalt  }
0x4b: {  	_ =	shalt  }
0x4c: {  	_ =	shalt  }
0x4d: {  	_ =	shalt  }
0x4e: {  	_ =	shalt  }
0x4f: {  	_ =	shalt  }
0x50: {  	_ =	shalt  }
0x51: {  	_ =	shalt  }
0x52: {  	_ =	shalt  }
0x53: {  	_ =	shalt  }
0x54: {  	_ =	shalt  }
0x55: {  	_ =	shalt  }
0x56: {  	_ =	shalt  }
0x57: {  	_ =	shalt  }
0x58: {  	_ =	shalt  }
0x59: {  	_ =	shalt  }
0x5a: {  	_ =	shalt  }
0x5b: {  	_ =	shalt  }
0x5c: {  	_ =	shalt  }
0x5d: {  	_ =	shalt  }
0x5e: {  	_ =	shalt  }
0x5f: {  	_ =	shalt  }
0x60: {  	_ =	shalt  }
0x61: {  	_ =	shalt  }
0x62: {  	_ =	shalt  }
0x63: {  	_ =	shalt  }
0x64: {  	_ =	shalt  }
0x65: {  	_ =	shalt  }
0x66: {  	_ =	shalt  }
0x67: {  	_ =	shalt  }
0x68: {  	_ =	shalt  }
0x69: {  	_ =	shalt  }
0x6a: {  	_ =	shalt  }
0x6b: {  	_ =	shalt  }
0x6c: {  	_ =	shalt  }
0x6d: {  	_ =	shalt  }
0x6e: {  	_ =	shalt  }
0x6f: {  	_ =	shalt  }
0x70: {  	_ =	shalt  }
0x71: {  	_ =	shalt  }
0x72: {  	_ =	shalt  }
0x73: {  	_ =	shalt  }
0x74: {  	_ =	shalt  }
0x75: {  	_ =	shalt  }
0x76: {  	_ =	shalt  }
0x77: {  	_ =	shalt  }
0x78: {  	_ =	shalt  }
0x79: {  	_ =	shalt  }
0x7a: {  	_ =	shalt  }
0x7b: {  	_ =	shalt  }
0x7c: {  	_ =	shalt  }
0x7d: {  	_ =	shalt  }
0x7e: {  	_ =	shalt  }
0x7f: {  	_ =	shalt  }
0x80: {  	_ =	shalt  }
0x81: {  	_ =	shalt  }
0x82: {  	_ =	shalt  }
0x83: {  	_ =	shalt  }
0x84: {  	_ =	shalt  }
0x85: {  	_ =	shalt  }
0x86: {  	_ =	shalt  }
0x87: {  	_ =	shalt  }
.Lfunc_end0:
.L_simem_size_0:
called_computation_lowered:
.L_overlay_start_0:
0x88: {  	s2 =	sld [smem:$0x3FD9]  }
0x89: {  	s3 =	sld [smem:$0x3FFE];
	_ =	sdelay $0x1  }
0x8a: {  	s1 =	srdreg.scid  }
0x8b: {  	s0 =	sand.u32 $0x1, s1  }
0x8c: {  	s17 =	sshll.u32 s0, $0xA;
	s2 =	sadd.s32 s3, s2  }
0x8d: {  	s2 =	sadd.s32 s2, s17  }
0x8e: {  	[smem:$0x3FC0] =	sst s2  }
0x8f: {  	_ = 	snop  }
0x90: {  	s2 =	sld [smem:$0x3FC9]  }
0x91: {  	s18 =	sld [smem:$0x3FD0];
	(tm) =	ssettm $0x1  }
0x92: {  	s4 =	sld [smem:$0x3FFB];
	_ =	sdelay $0x3  }
0x93: {  	_ =	strace s4  }
0x94: {  	s4 =	sld [smem:$0x3FFC];
	_ =	sdelay $0x3  }
0x95: {  	_ =	strace s4  }
0x96: {  	s4 =	sld [smem:$0x3FFD];
	_ =	sdelay $0x3  }
0x97: {  	_ =	strace s4  }
0x98: {  	_ =	strace $0x8FFFFFFF  }
0x99: {  	s19 =	sld [smem:$0x3FDB];
	_ =	sdelay $0x1  }
0x9a: {  	s5 =	simm.s32 $_scs_section_size  }
0x9b: {  	s6 =	simm.s32 $_size__tile_overlayer_lowered;
	s7 =	simm.s32 $_tile_overlayer_lowered  }
0x9c: {  	s22 =	simm.s32 $0x1BFF;
	s21 =	sshll.u32 s7, $0x1;
	s4 =	sadd.s32 s5, s19  }
0x9d: {  	s8 =	simm.s32 $0x0;
	s20 =	sshll.u32 s6, $0x1;
	s6 =	sadd.s32 s21, s4  }
0x9e: {  	[timem:s8], [sflag:s22] =	dma.local [hbm:s6], s20  }
0x9f: {  	_ =	swait.ge [sflag:s22], s20  }
0xa0: {  	s5 =	ssub.s32 $0x0, s20;
	[sflag:s22] =	ssyncset.done $0x0  }
0xa1: {  	[sflag:s22] =	ssyncadd.s32 s5;
	_ =	sdelay $0x1  }
0xa2: {  	s23 =	simm.s32 $0x1B8B  }
0xa3: {  	_ =	swait.ge [sflag:s23], $0x1  }
0xa4: {  	[sflag:s23] =	ssyncset.done $0x0  }
0xa5: {  	s25 =	simm.s32 $0x1B8E;
	s24 =	sld [smem:$0x3FFE];
	[sflag:s23] =	ssyncadd.s32 $0xFFFFFFFF  }
0xa6: {  	s26 =	simm.s32 $execute0_lowered;
	[smem:$0x3FD2] =	sst s25  }
0xa7: {  	s6 =	sshll.u32 s26, $0x1;
	_ =	strace $0x80000046;
	[dreg:$0x1] =	wrdreg $0xFFFFFFFF  }
0xa8: {  	s28 =	simm.s32 $_size_execute0_lowered;
	s4 =	sadd.s32 s4, s6;
	[dreg:$0x0] =	wrdreg $0x0  }
0xa9: {  	s6 =	sshll.u32 s28, $0x1;
	[dreg:$0x2] =	wrdreg s4  }
0xaa: {  	[dreg:$0x3] =	wrdreg s6  }
0xab: {  	[dreg:$0x4] =	wrdreg $0xC0  }
0xac: {  	_ =	task [dreg:s8], $0x5FFFF  }
0xad: {  	[dreg:$0x1] =	wrdreg $0xFFFFFFFF  }
0xae: {  	[dreg:$0x0] =	wrdreg $0x60  }
0xaf: {  	[dreg:$0x2] =	wrdreg s18  }
0xb0: {  	[dreg:$0x3] =	wrdreg s24  }
0xb1: {  	[dreg:$0x4] =	wrdreg s2  }
0xb2: {  	[dreg:$0x5] =	wrdreg $0xAA000  }
0xb3: {  	[dreg:$0x6] =	wrdreg $0x9  }
0xb4: {  	_ =	task.clear_ibuf [dreg:s8], $0x7FFFF;
	_ =	strace $0x90000046  }
0xb5: {  	s29 =	simm.s32 $0x9;
	_ =	strace $0x80000048  }
0xb6: {  	_ =	swait.ge [sflag:s29], $0x1  }
0xb7: {  	[sflag:s29] =	ssyncadd.s32 $0xFFFFFFFF  }
0xb8: {  	_ =	strace $0x90000048  }
0xb9: {  	_ =	sfence  }
0xba: {  	s30 =	sld [smem:$0x0];
	_ =	sdelay $0x2  }
0xbb: {  	s31 =	sshll.u32 s1, $0xD;
	s1 =	sshrl.u32 s1, $0x2  }
0xbc: {  	s3 =	sand.u32 $0x4000, s31;
	s1 =	sadd.s32 s1, s30  }
0xbd: {  	s0 =	sor.u32 s3, s0;
	s1 =	sshll.u32 s1, $0x11  }
0xbe: {  	s0 =	sor.u32 s1, s0  }
0xbf: {  	s0 =	sadd.s32 $0x8F2B, s0  }
0xc0: {  	[sflag:s0] =	ssyncadd.remote.s32 $0x1  }
0xc1: {  	_ =	sfence.sel $0xFFFF  }
0xc2: {  	[dreg:$0x0] =	wrdreg $0xFFFFFFFF;
	(pc) =	sbr.abs _section_cstart, $3  }
0xc3: {  	[dreg:$0x1] =	wrdreg $0xFFFFFFFF  }
0xc4: {  	_ =	task.clear_ibuf [dreg:s8], $0x2FFFF;
	_ =	strace $0x9FFFFFFF  }
0xc5: {  	(tm) =	ssettm $0x7FFFFFFF  }
tec
execute0_lowered:
.L_overlay_start_1:
0x0: {  	(tag) =	ssettag $0x1  }
0x1: {  	s7 =	rddreg [dreg:$0x0]  }
0x2: {  	s6 =	rddreg [dreg:$0x1]  }
0x3: {  	s2 =	rddreg [dreg:$0x2];
	s0 =	srdreg.scid  }
0x4: {  	s3 =	rddreg [dreg:$0x3];
	s1 =	stileid.u32  }
0x5: {  	s4 =	simm.s32 $0x0;
	s12 =	simm.s32 $0x80;
	s13 =	simm.s32 $0x2800  }
0x6: {  	s14 =	simm.s32 $0x2A00;
	s15 =	simm.s32 $0x2900;
	s16 =	simm.s32 $0x6A00  }
0x7: {  	s17 =	simm.s32 $0x2880;
	s18 =	simm.s32 $0x1;
	s19 =	simm.s32 $0x2980  }
0x8: {  	s20 =	simm.s32 $0x3;
	s21 =	simm.s32 $0x4;
	s22 =	simm.s32 $0x2  }
0x9: {  	s23 =	simm.s32 $0x0;
	s8 =	sand.u32 $0x1, s0;
	s0 =	rddreg [dreg:$0x4]  }
0xa: {  	s10 =	smul.u32 $0x13C00, s1;
	[smem:$0x7FF] =	sst s4;
	s5 =	sadd.s32 $0x1400, s6  }
0xb: {  	s28 =	smul.u32 $0x4F000, s1;
	s11 =	sshll.u32 s1, $0x1;
	s31 =	sshll.u32 s1, $0x6  }
0xc: {  	s9 =	smul.u32 $0x13C000, s8;
	s29 =	ssub.s32 $0x2, s8;
	s8 =	sor.u32 s8, s11  }
0xd: {  	_ =	strace $0x80000047;
	s30 =	sshrl.u32 s29, $0x1;
	s8 =	smul.u32 $0x500, s8  }
0xe: {  	s9 =	sadd.s32 s10, s9;
	s10 =	sshrl.u32 s28, $0x2;
	s11 =	ssub.s32 s29, s30  }
0xf: {  	s9 =	sshrl.u32 s9, $0x3;
	s10 =	sadd.s32 s10, s3;
	s7 =	sadd.s32 s7, s8  }
0x10: {  	s9 =	sadd.s32 s9, s6;
	s6 =	sor.u32 $0x1C05, s31;
	s10 =	sshrl.u32 s10, $0x3  }
0x11: {  	s8 =	sadd.s32 $0x3C00, s9;
	s9 =	smax.u32 s11, $0x1;
	s11 =	simm.s32 $0x5  }
.LBB2_1:
0x12: {  	[spmem:s10], [sflag:s6] =	dma.local [hbm:s5], $0x2780  }
0x13: {  	_ =	swait.ge [sflag:s11], $0x2780  }
0x14: {  	[sflag:s11] =	ssyncset.done $0x0  }
0x15: {  	[sflag:s11] =	ssyncadd.s32 $0xFFFFD880  }
0x16: {  	[tilespmem:s4], [sflag:$0x5] =	stream.linear.gather [hbm4b:s7+s4], $0x2800, $0x38;
	[tilespmem:$0x1E600] =	vst v63  }
0x17: {  	_ =	swait.ge [sflag:s11], $0x2800  }
0x18: {  	[sflag:s11] =	ssyncset.done $0x0  }
0x19: {  	[sflag:s11] =	ssyncadd.s32 $0xFFFFD800  }
0x1a: {  	[bflag:$0x0] =	sbarrier.arrive $0xFFFF  }
0x1b: {  	v0 =	vld [tilespmem:$0x0];
	_ =	sdelay $0x1  }
0x1c: {  	v1 =	vld [tilespmem:$0x10];
	_ =	sdelay $0x1  }
0x1d: {  	v2 =	vld [tilespmem:$0x20]  }
0x1e: {  	v3 =	vand.u32 $0xFFFF, v0  }
0x1f: {  	v0 =	vshrl.u32 v0, $0x10;
	[tilespmem:$0x2800] =	vst v3;
	v3 =	vld [tilespmem:$0x30]  }
0x20: {  	[tilespmem:$0x2880] =	vst v0;
	v0 =	vand.u32 $0xFFFF, v1  }
0x21: {  	[tilespmem:$0x2810] =	vst v0;
	v0 =	vshrl.u32 v1, $0x10;
	v1 =	vld [tilespmem:$0x40]  }
0x22: {  	[tilespmem:$0x2890] =	vst v0;
	v0 =	vand.u32 $0xFFFF, v2  }
0x23: {  	[tilespmem:$0x2820] =	vst v0;
	v0 =	vshrl.u32 v2, $0x10;
	v2 =	vld [tilespmem:$0x50]  }
0x24: {  	[tilespmem:$0x28A0] =	vst v0;
	v0 =	vand.u32 $0xFFFF, v3  }
0x25: {  	[tilespmem:$0x2830] =	vst v0;
	v0 =	vshrl.u32 v3, $0x10;
	v3 =	vld [tilespmem:$0x60]  }
0x26: {  	[tilespmem:$0x28B0] =	vst v0;
	v0 =	vand.u32 $0xFFFF, v1  }
0x27: {  	[tilespmem:$0x2840] =	vst v0;
	v0 =	vshrl.u32 v1, $0x10;
	v1 =	vld [tilespmem:$0x70]  }
0x28: {  	[tilespmem:$0x28C0] =	vst v0;
	v0 =	vand.u32 $0xFFFF, v2  }
0x29: {  	[tilespmem:$0x2850] =	vst v0;
	v0 =	vshrl.u32 v2, $0x10  }
0x2a: {  	[tilespmem:$0x28D0] =	vst v0;
	v0 =	vand.u32 $0xFFFF, v3  }
0x2b: {  	[tilespmem:$0x2860] =	vst v0;
	v0 =	vshrl.u32 v3, $0x10  }
0x2c: {  	[tilespmem:$0x28E0] =	vst v0;
	v0 =	vand.u32 $0xFFFF, v1  }
0x2d: {  	[tilespmem:$0x2870] =	vst v0;
	v0 =	vshrl.u32 v1, $0x10  }
0x2e: {  	[tilespmem:$0x28F0] =	vst v0  }
0x2f: {  	[tilespmem:s14], [sflag:$0x5] =	stream.indirect.gather [hbm4b:s2+s12], $0x80, s13, s12, $0xb8;
	[tilespmem:$0x1E600] =	vst v63  }
0x30: {  	_ =	swait.ge [sflag:s11], $0x4000  }
0x31: {  	[sflag:s11] =	ssyncset.done $0x0  }
0x32: {  	s24 =	simm.s32 $0xF0;
	[sflag:s11] =	ssyncadd.s32 $0xFFFFC000  }
0x33: {  	v0 =	vld [tilespmem:s24+$0xFFFFFF90];
	_ =	sdelay $0x4  }
0x34: {  	v1 =	vand.u32 $0xFFFF, v0  }
0x35: {  	v0 =	vshrl.u32 v0, $0x10;
	[tilespmem:$0x2900] =	vst v1  }
0x36: {  	[tilespmem:$0x2980] =	vst v0  }
0x37: {  	v0 =	vld [tilespmem:s24+$0xFFFFFFA0];
	_ =	sdelay $0x4  }
0x38: {  	v1 =	vand.u32 $0xFFFF, v0  }
0x39: {  	v0 =	vshrl.u32 v0, $0x10;
	[tilespmem:$0x2910] =	vst v1  }
0x3a: {  	[tilespmem:$0x2990] =	vst v0  }
0x3b: {  	v0 =	vld [tilespmem:s24+$0xFFFFFFB0];
	_ =	sdelay $0x4  }
0x3c: {  	v1 =	vand.u32 $0xFFFF, v0  }
0x3d: {  	v0 =	vshrl.u32 v0, $0x10;
	[tilespmem:$0x2920] =	vst v1  }
0x3e: {  	[tilespmem:$0x29A0] =	vst v0  }
0x3f: {  	v0 =	vld [tilespmem:s24+$0xFFFFFFC0];
	_ =	sdelay $0x4  }
0x40: {  	v1 =	vand.u32 $0xFFFF, v0  }
0x41: {  	v0 =	vshrl.u32 v0, $0x10;
	[tilespmem:$0x2930] =	vst v1  }
0x42: {  	[tilespmem:$0x29B0] =	vst v0  }
0x43: {  	v0 =	vld [tilespmem:s24+$0xFFFFFFD0];
	_ =	sdelay $0x4  }
0x44: {  	v1 =	vand.u32 $0xFFFF, v0  }
0x45: {  	v0 =	vshrl.u32 v0, $0x10;
	[tilespmem:$0x2940] =	vst v1  }
0x46: {  	[tilespmem:$0x29C0] =	vst v0  }
0x47: {  	v0 =	vld [tilespmem:s24+$0xFFFFFFE0];
	_ =	sdelay $0x4  }
0x48: {  	v1 =	vand.u32 $0xFFFF, v0  }
0x49: {  	v0 =	vshrl.u32 v0, $0x10;
	[tilespmem:$0x2950] =	vst v1  }
0x4a: {  	[tilespmem:$0x29D0] =	vst v0  }
0x4b: {  	v0 =	vld [tilespmem:s24+$0xFFFFFFF0];
	_ =	sdelay $0x4  }
0x4c: {  	v1 =	vand.u32 $0xFFFF, v0  }
0x4d: {  	v0 =	vshrl.u32 v0, $0x10;
	[tilespmem:$0x2960] =	vst v1  }
0x4e: {  	[tilespmem:$0x29E0] =	vst v0  }
0x4f: {  	v0 =	vld [tilespmem:s24+$0x0];
	_ =	sdelay $0x4  }
0x50: {  	v1 =	vand.u32 $0xFFFF, v0  }
0x51: {  	v0 =	vshrl.u32 v0, $0x10;
	[tilespmem:$0x2970] =	vst v1  }
0x52: {  	[tilespmem:$0x29F0] =	vst v0  }
0x53: {  	[tilespmem:s16], [sflag:$0x1] =	stream.indirect.gather [hbm4b:s2+s12], $0x80, s15, s12, $0xb8;
	[tilespmem:$0x1E600] =	vst v63  }
0x54: {  	_ = 	snop  }
0x55: {  	[spmem:s3] =	stream.indirect.scatter.add.f32 [tilespmem:s14], [sflag:$0x3], $0x80, s17, s12, $0xb8;
	[tilespmem:$0x1E600] =	vst v63  }
0x56: {  	_ =	swait.ge [sflag:s18], $0x4000  }
0x57: {  	[sflag:s18] =	ssyncset.done $0x0  }
0x58: {  	[sflag:s18] =	ssyncadd.s32 $0xFFFFC000  }
0x59: {  	[spmem:s3] =	stream.indirect.scatter.add.f32 [tilespmem:s16], [sflag:$0x4], $0x80, s19, s12, $0xb8;
	[tilespmem:$0x1E600] =	vst v63  }
0x5a: {  	_ =	swait.ge [sflag:s20], $0x4000  }
0x5b: {  	s25 =	smin.u32 s4, $0x4D;
	[sflag:s20] =	ssyncset.done $0x0  }
0x5c: {  	s26 =	sshll.u32 s25, $0x7;
	[sflag:s20] =	ssyncadd.s32 $0xFFFFC000  }
0x5d: {  	v0 =	vld [tilespmem:s26+$0x100];
	_ =	sdelay $0x4  }
0x5e: {  	v1 =	vand.u32 $0xFFFF, v0  }
0x5f: {  	v0 =	vshrl.u32 v0, $0x10;
	[tilespmem:$0x2800] =	vst v1  }
0x60: {  	[tilespmem:$0x2880] =	vst v0  }
0x61: {  	v0 =	vld [tilespmem:s26+$0x110];
	_ =	sdelay $0x4  }
0x62: {  	v1 =	vand.u32 $0xFFFF, v0  }
0x63: {  	v0 =	vshrl.u32 v0, $0x10;
	[tilespmem:$0x2810] =	vst v1  }
0x64: {  	[tilespmem:$0x2890] =	vst v0  }
0x65: {  	v0 =	vld [tilespmem:s26+$0x120];
	_ =	sdelay $0x4  }
0x66: {  	v1 =	vand.u32 $0xFFFF, v0  }
0x67: {  	v0 =	vshrl.u32 v0, $0x10;
	[tilespmem:$0x2820] =	vst v1  }
0x68: {  	[tilespmem:$0x28A0] =	vst v0  }
0x69: {  	v0 =	vld [tilespmem:s26+$0x130];
	_ =	sdelay $0x4  }
0x6a: {  	v1 =	vand.u32 $0xFFFF, v0  }
0x6b: {  	v0 =	vshrl.u32 v0, $0x10;
	[tilespmem:$0x2830] =	vst v1  }
0x6c: {  	[tilespmem:$0x28B0] =	vst v0  }
0x6d: {  	v0 =	vld [tilespmem:s26+$0x140];
	_ =	sdelay $0x4  }
0x6e: {  	v1 =	vand.u32 $0xFFFF, v0  }
0x6f: {  	v0 =	vshrl.u32 v0, $0x10;
	[tilespmem:$0x2840] =	vst v1  }
0x70: {  	[tilespmem:$0x28C0] =	vst v0  }
0x71: {  	v0 =	vld [tilespmem:s26+$0x150];
	_ =	sdelay $0x4  }
0x72: {  	v1 =	vand.u32 $0xFFFF, v0  }
0x73: {  	v0 =	vshrl.u32 v0, $0x10;
	[tilespmem:$0x2850] =	vst v1  }
0x74: {  	[tilespmem:$0x28D0] =	vst v0  }
0x75: {  	v0 =	vld [tilespmem:s26+$0x160];
	_ =	sdelay $0x4  }
0x76: {  	s25 =	simm.s32 $0x2;
	v1 =	vand.u32 $0xFFFF, v0;
	v0 =	vshrl.u32 v0, $0x10  }
.LBB2_2:
0x77: {  	p0 =	sne.s32 s25, $0x4E  }
0x78: {  	[tilespmem:$0x2860] =	vst v1;
	s24 =	sadd.s32 $0x100, s24;
	s28 =	smov.u32 s25;
	s25 =	sadd.s32 $0x2, s25  }
0x79: {  	[tilespmem:$0x28E0] =	vst v0  }
0x7a: {  	v0 =	vld [tilespmem:s26+$0x170];
	_ =	sdelay $0x4  }
0x7b: {  	v1 =	vand.u32 $0xFFFF, v0;
	v0 =	vshrl.u32 v0, $0x10  }
0x7c: {  	[tilespmem:$0x2870] =	vst v1  }
0x7d: {  	[tilespmem:$0x28F0] =	vst v0  }
0x7e: {  	[tilespmem:s14], [sflag:$0x2] =	stream.indirect.gather [hbm4b:s2+s12], $0x80, s13, s12, $0xb8;
	[tilespmem:$0x1E600] =	vst v63  }
0x7f: {  	_ =	swait.ge [sflag:s21], $0x4000  }
0x80: {  	[sflag:s21] =	ssyncset.done $0x0  }
0x81: {  	[sflag:s21] =	ssyncadd.s32 $0xFFFFC000  }
0x82: {  	_ =	swait.ge [sflag:s22], $0x4000  }
0x83: {  	[sflag:s22] =	ssyncset.done $0x0  }
0x84: {  	[sflag:s22] =	ssyncadd.s32 $0xFFFFC000  }
0x85: {  	v0 =	vld [tilespmem:s24+$0xFFFFFF90];
	_ =	sdelay $0x4  }
0x86: {  	v1 =	vand.u32 $0xFFFF, v0;
	v0 =	vshrl.u32 v0, $0x10  }
0x87: {  	[tilespmem:$0x2900] =	vst v1  }
0x88: {  	[tilespmem:$0x2980] =	vst v0  }
0x89: {  	v0 =	vld [tilespmem:s24+$0xFFFFFFA0];
	_ =	sdelay $0x4  }
0x8a: {  	v1 =	vand.u32 $0xFFFF, v0;
	v0 =	vshrl.u32 v0, $0x10  }
0x8b: {  	[tilespmem:$0x2910] =	vst v1  }
0x8c: {  	[tilespmem:$0x2990] =	vst v0  }
0x8d: {  	v0 =	vld [tilespmem:s24+$0xFFFFFFB0];
	_ =	sdelay $0x4  }
0x8e: {  	v1 =	vand.u32 $0xFFFF, v0;
	v0 =	vshrl.u32 v0, $0x10  }
0x8f: {  	[tilespmem:$0x2920] =	vst v1  }
0x90: {  	[tilespmem:$0x29A0] =	vst v0  }
0x91: {  	v0 =	vld [tilespmem:s24+$0xFFFFFFC0];
	_ =	sdelay $0x4  }
0x92: {  	v1 =	vand.u32 $0xFFFF, v0;
	v0 =	vshrl.u32 v0, $0x10  }
0x93: {  	[tilespmem:$0x2930] =	vst v1  }
0x94: {  	[tilespmem:$0x29B0] =	vst v0  }
0x95: {  	v0 =	vld [tilespmem:s24+$0xFFFFFFD0];
	_ =	sdelay $0x4  }
0x96: {  	v1 =	vand.u32 $0xFFFF, v0;
	v0 =	vshrl.u32 v0, $0x10  }
0x97: {  	[tilespmem:$0x2940] =	vst v1  }
0x98: {  	[tilespmem:$0x29C0] =	vst v0  }
0x99: {  	v0 =	vld [tilespmem:s24+$0xFFFFFFE0];
	_ =	sdelay $0x4  }
0x9a: {  	v1 =	vand.u32 $0xFFFF, v0;
	v0 =	vshrl.u32 v0, $0x10  }
0x9b: {  	[tilespmem:$0x2950] =	vst v1  }
0x9c: {  	[tilespmem:$0x29D0] =	vst v0  }
0x9d: {  	v0 =	vld [tilespmem:s24+$0xFFFFFFF0];
	_ =	sdelay $0x4  }
0x9e: {  	v1 =	vand.u32 $0xFFFF, v0;
	v0 =	vshrl.u32 v0, $0x10  }
0x9f: {  	[tilespmem:$0x2960] =	vst v1  }
0xa0: {  	[tilespmem:$0x29E0] =	vst v0  }
0xa1: {  	v0 =	vld [tilespmem:s24+$0x0];
	_ =	sdelay $0x4  }
0xa2: {  	v1 =	vand.u32 $0xFFFF, v0;
	v0 =	vshrl.u32 v0, $0x10  }
0xa3: {  	[tilespmem:$0x2970] =	vst v1  }
0xa4: {  	s26 =	smin.u32 s28, $0x4D;
	[tilespmem:$0x29F0] =	vst v0  }
0xa5: {  	[tilespmem:s16], [sflag:$0x1] =	stream.indirect.gather [hbm4b:s2+s12], $0x80, s15, s12, $0xb8;
	[tilespmem:$0x1E600] =	vst v63  }
0xa6: {  	s26 =	sshll.u32 s26, $0x7  }
0xa7: {  	[spmem:s3] =	stream.indirect.scatter.add.f32 [tilespmem:s14], [sflag:$0x3], $0x80, s17, s12, $0xb8;
	[tilespmem:$0x1E600] =	vst v63  }
0xa8: {  	_ =	swait.ge [sflag:s18], $0x4000  }
0xa9: {  	[sflag:s18] =	ssyncset.done $0x0  }
0xaa: {  	[sflag:s18] =	ssyncadd.s32 $0xFFFFC000  }
0xab: {  	[spmem:s3] =	stream.indirect.scatter.add.f32 [tilespmem:s16], [sflag:$0x4], $0x80, s19, s12, $0xb8;
	[tilespmem:$0x1E600] =	vst v63  }
0xac: {  	_ =	swait.ge [sflag:s20], $0x4000  }
0xad: {  	[sflag:s20] =	ssyncset.done $0x0  }
0xae: {  	[sflag:s20] =	ssyncadd.s32 $0xFFFFC000  }
0xaf: {  	v0 =	vld [tilespmem:s26+$0x100];
	_ =	sdelay $0x4  }
0xb0: {  	v1 =	vand.u32 $0xFFFF, v0;
	v0 =	vshrl.u32 v0, $0x10  }
0xb1: {  	[tilespmem:$0x2800] =	vst v1  }
0xb2: {  	[tilespmem:$0x2880] =	vst v0  }
0xb3: {  	v0 =	vld [tilespmem:s26+$0x110];
	_ =	sdelay $0x4  }
0xb4: {  	v1 =	vand.u32 $0xFFFF, v0;
	v0 =	vshrl.u32 v0, $0x10  }
0xb5: {  	[tilespmem:$0x2810] =	vst v1  }
0xb6: {  	[tilespmem:$0x2890] =	vst v0  }
0xb7: {  	v0 =	vld [tilespmem:s26+$0x120];
	_ =	sdelay $0x4  }
0xb8: {  	v1 =	vand.u32 $0xFFFF, v0;
	v0 =	vshrl.u32 v0, $0x10  }
0xb9: {  	[tilespmem:$0x2820] =	vst v1  }
0xba: {  	[tilespmem:$0x28A0] =	vst v0  }
0xbb: {  	v0 =	vld [tilespmem:s26+$0x130];
	_ =	sdelay $0x4  }
0xbc: {  	v1 =	vand.u32 $0xFFFF, v0;
	v0 =	vshrl.u32 v0, $0x10  }
0xbd: {  	[tilespmem:$0x2830] =	vst v1  }
0xbe: {  	[tilespmem:$0x28B0] =	vst v0  }
0xbf: {  	v0 =	vld [tilespmem:s26+$0x140];
	_ =	sdelay $0x4  }
0xc0: {  	v1 =	vand.u32 $0xFFFF, v0;
	v0 =	vshrl.u32 v0, $0x10  }
0xc1: {  	[tilespmem:$0x2840] =	vst v1  }
0xc2: {  	[tilespmem:$0x28C0] =	vst v0  }
0xc3: {  	v0 =	vld [tilespmem:s26+$0x150];
	_ =	sdelay $0x4  }
0xc4: {  	v1 =	vand.u32 $0xFFFF, v0;
	v0 =	vshrl.u32 v0, $0x10  }
0xc5: {  	[tilespmem:$0x2850] =	vst v1  }
0xc6: {  	[tilespmem:$0x28D0] =	vst v0  }
0xc7: {  	v0 =	vld [tilespmem:s26+$0x160]  }
.Ltmp0:
0xc8: {  	(pc) =	sbr.rel @p0 .LBB2_2-.Ltmp0, $2  }
0xc9: {  	_ =	sdelay $0x2  }
0xca: {  	v1 =	vand.u32 $0xFFFF, v0;
	v0 =	vshrl.u32 v0, $0x10  }
0xcb: {  	[tilespmem:$0x2860] =	vst v1  }
0xcc: {  	[tilespmem:$0x28E0] =	vst v0  }
0xcd: {  	v0 =	vld [tilespmem:s26+$0x170];
	_ =	sdelay $0x4  }
0xce: {  	v63 =	vand.u32 $0xFFFF, v0  }
0xcf: {  	v0 =	vshrl.u32 v0, $0x10;
	[tilespmem:$0x2870] =	vst v63  }
0xd0: {  	[tilespmem:$0x28F0] =	vst v0  }
0xd1: {  	[tilespmem:s14], [sflag:$0x2] =	stream.indirect.gather [hbm4b:s2+s12], $0x80, s13, s12, $0xb8;
	[tilespmem:$0x1E600] =	vst v63  }
0xd2: {  	_ =	swait.ge [sflag:s21], $0x4000  }
0xd3: {  	[sflag:s21] =	ssyncset.done $0x0  }
0xd4: {  	[sflag:s21] =	ssyncadd.s32 $0xFFFFC000  }
0xd5: {  	_ =	swait.ge [sflag:s22], $0x4000  }
0xd6: {  	s23 =	sadd.s32 $0x1, s23;
	[sflag:s22] =	ssyncset.done $0x0  }
0xd7: {  	p0 =	sne.s32 s23, s9;
	[sflag:s22] =	ssyncadd.s32 $0xFFFFC000  }
.Ltmp1:
0xd8: {  	[bflag:$0x0] =	sbarrier.arrive $0xFFFF;
	(pc) =	sbr.rel @p0 .LBB2_1-.Ltmp1, $4  }
0xd9: {  	[hbm:s8], [sflag:s6] =	dma.local [spmem:s10], $0x2780  }
0xda: {  	_ =	swait.ge [sflag:s11], $0x2780  }
0xdb: {  	[sflag:s11] =	ssyncset.done $0x0  }
0xdc: {  	[sflag:s11] =	ssyncadd.s32 $0xFFFFD880  }
0xdd: {  	_ =	sfence.sel $0x180000  }
0xde: {  	[bflag:$0x0] =	sbarrier.arrive $0xFFFF  }
0xdf: {  	p0 =	sne.s32 s1, $0x0;
	_ =	strace $0x90000047  }
0xe0: {  	s0 =	sadd.s32 @!p0 $0x100000, s0;
	[bflag:$0x2] =	sbarrier.arrive $0xFFFF  }
0xe1: {  	[sflag:s0] =	ssyncadd.tile.s32 @!p0 $0x1;
	_ =	shalt  }
.Lfunc_end2:
_tile_overlayer_lowered:
.L_overlay_start_2:
0xe2: {  	(tag) =	ssettag $0x2  }
0xe3: {  	s0 =	rddreg [dreg:$0x0];
	s2 =	stileid.u32  }
0xe4: {  	s1 =	rddreg [dreg:$0x1];
	p0 =	sne.s32 s2, $0x0  }
0xe5: {  	s3 =	rddreg [dreg:$0x2];
	[bflag:$0x3] =	sbarrier.arrive $0xFFFF;
	s2 =	simm.s32 @!p0 $0x1C05  }
0xe6: {  	[timem:s3], [sflag:s2] =	dma.local @!p0 [hbm:s0], s1  }
0xe7: {  	s0 =	simm.s32 @!p0 $0x5  }
0xe8: {  	_ =	swait.ge @!p0 [sflag:s0], s1  }
0xe9: {  	s1 =	ssub.s32 @!p0 $0x0, s1;
	[sflag:s0] =	ssyncset.done @!p0 $0x0  }
0xea: {  	[sflag:s0] =	ssyncadd.s32 @!p0 s1  }
0xeb: {  	[bflag:$0x3] =	sbarrier.arrive $0xFFFF  }
0xec: {  	_ =	shalt  }

</sc_bundles>
